<compile_context>
chip_gen: v7x
topology: tpu7x:2x2x1
jax: 0.10.2.dev20260603
libtpu: 0.0.44.dev20260713+nightly
codegen_flags: <defaults>
</compile_context>

<pallas_src>
import functools

import jax
import jax.numpy as jnp
from jax import lax
from jax.experimental import pallas as pl
from jax.experimental.pallas import tpu as pltpu
from jax.experimental.pallas import tpu_sc as plsc

K_TOP = 200
NMS_THR = 0.5
B = 4
N = 5000
NP = 5120
KP = 208
L = 16
NC = 2
NW = 32
CHUNK = 64


def _nms_body(y1_h, x1_h, y2_h, x2_h, ord_h,
              keep_h, ry1_h, rx1_h, ry2_h, rx2_h, cnt_h,
              vy1, vx1, vy2, vx2, vord,
              ky1, kx1, ky2, kx2, kar,
              okeep, oy1, ox1, oy2, ox2, ocnt):
    c = lax.axis_index("c")
    s = lax.axis_index("s")
    wid = s * NC + c
    b = jnp.minimum(wid, B - 1)

    pltpu.sync_copy(y1_h.at[b], vy1)
    pltpu.sync_copy(x1_h.at[b], vx1)
    pltpu.sync_copy(y2_h.at[b], vy2)
    pltpu.sync_copy(x2_h.at[b], vx2)
    pltpu.sync_copy(ord_h.at[b], vord)

    zf = jnp.zeros((L,), jnp.float32)
    zi = jnp.zeros((L,), jnp.int32)
    for t in range(KP // L):
        sl = pl.ds(t * L, L)
        ky1[sl] = zf
        kx1[sl] = zf
        ky2[sl] = zf
        kx2[sl] = zf
        kar[sl] = zf
        okeep[sl] = zi
        oy1[sl] = zf
        ox1[sl] = zf
        oy2[sl] = zf
        ox2[sl] = zf

    lanes = lax.iota(jnp.int32, L)
    lane0 = lanes == 0

    def load_cand(p):
        pv = jnp.full((L,), p, jnp.int32)
        idxv = plsc.load_gather(vord, [pv])
        y1c = plsc.load_gather(vy1, [idxv])
        x1c = plsc.load_gather(vx1, [idxv])
        y2c = plsc.load_gather(vy2, [idxv])
        x2c = plsc.load_gather(vx2, [idxv])
        return (idxv, y1c, x1c, y2c, x2c)

    def load_pair(p):
        return load_cand(p) + load_cand(p + 1)

    def accept(kpos, idxv, y1c, x1c, y2c, x2c, areac):
        kv = jnp.full((L,), kpos, jnp.int32)
        plsc.store_scatter(ky1, [kv], y1c, mask=lane0)
        plsc.store_scatter(kx1, [kv], x1c, mask=lane0)
        plsc.store_scatter(ky2, [kv], y2c, mask=lane0)
        plsc.store_scatter(kx2, [kv], x2c, mask=lane0)
        plsc.store_scatter(kar, [kv], areac, mask=lane0)
        plsc.store_scatter(okeep, [kv], idxv, mask=lane0)
        plsc.store_scatter(oy1, [kv], y1c, mask=lane0)
        plsc.store_scatter(ox1, [kv], x1c, mask=lane0)
        plsc.store_scatter(oy2, [kv], y2c, mask=lane0)
        plsc.store_scatter(ox2, [kv], x2c, mask=lane0)

    def pair_body(j, state):
        kept, cur = state
        (iA, y1A, x1A, y2A, x2A, iB, y1B, x1B, y2B, x2B) = cur
        nxt = load_pair(jnp.minimum(2 * j + 2, NP - 2))
        areaA = (x2A - x1A) * (y2A - y1A)
        areaB = (x2B - x1B) * (y2B - y1B)
        neg1 = jnp.full((L,), -1.0, jnp.float32)
        two = jnp.full((L,), 2.0, jnp.float32)
        mA0 = jnp.where(areaA >= 4.0, neg1, two)
        mB0 = jnp.where(areaB >= 4.0, neg1, two)

        nk = jnp.where(kept < K_TOP, (kept + (L - 1)) // L, 0)

        def iou_step(t, ms):
            mA, mB = ms
            sl = pl.ds(t * L, L)
            a1 = ky1[sl]
            b1 = kx1[sl]
            a2 = ky2[sl]
            b2 = kx2[sl]
            ka = kar[sl]
            qa_y1 = jnp.minimum(jnp.maximum(y1A, a1), a2)
            qa_x1 = jnp.minimum(jnp.maximum(x1A, b1), b2)
            qa_y2 = jnp.minimum(jnp.maximum(y2A, a1), a2)
            qa_x2 = jnp.minimum(jnp.maximum(x2A, b1), b2)
            ia = (qa_x2 - qa_x1) * (qa_y2 - qa_y1)
            ua = areaA + ka - ia
            qb_y1 = jnp.minimum(jnp.maximum(y1B, a1), a2)
            qb_x1 = jnp.minimum(jnp.maximum(x1B, b1), b2)
            qb_y2 = jnp.minimum(jnp.maximum(y2B, a1), a2)
            qb_x2 = jnp.minimum(jnp.maximum(x2B, b1), b2)
            ib = (qb_x2 - qb_x1) * (qb_y2 - qb_y1)
            ub = areaB + ka - ib
            return (jnp.maximum(mA, ia / ua), jnp.maximum(mB, ib / ub))

        mA, mB = lax.fori_loop(0, nk, iou_step, (mA0, mB0))
        takeA = jnp.logical_and(kept < K_TOP, jnp.max(mA) <= NMS_THR)
        takeAi = takeA.astype(jnp.int32)

        q_y1 = jnp.minimum(jnp.maximum(y1B, y1A), y2A)
        q_x1 = jnp.minimum(jnp.maximum(x1B, x1A), x2A)
        q_y2 = jnp.minimum(jnp.maximum(y2B, y1A), y2A)
        q_x2 = jnp.minimum(jnp.maximum(x2B, x1A), x2A)
        iab = (q_x2 - q_x1) * (q_y2 - q_y1)
        uab = areaB + areaA - iab
        okAB = jnp.logical_or(jnp.logical_not(takeA),
                              jnp.max(iab / uab) <= NMS_THR)
        takeB = jnp.logical_and(
            kept + takeAi < K_TOP,
            jnp.logical_and(jnp.max(mB) <= NMS_THR, okAB))

        @pl.when(takeA)
        def _acceptA():
            accept(kept, iA, y1A, x1A, y2A, x2A, areaA)

        @pl.when(takeB)
        def _acceptB():
            accept(kept + takeAi, iB, y1B, x1B, y2B, x2B, areaB)

        return (kept + takeAi + takeB.astype(jnp.int32), nxt)

    def chunk_body(t, state):
        def run(st):
            st2 = (st[0], load_pair(t * CHUNK))
            return lax.fori_loop(t * (CHUNK // 2), (t + 1) * (CHUNK // 2),
                                 pair_body, st2)
        return lax.cond(state[0] < K_TOP, run, lambda st: st, state)

    kept, _ = lax.fori_loop(0, NP // CHUNK, chunk_body,
                            (jnp.int32(0), load_pair(0)))

    ocnt[...] = jnp.full((L,), kept, jnp.int32)

    pltpu.sync_copy(okeep, keep_h.at[wid])
    pltpu.sync_copy(oy1, ry1_h.at[wid])
    pltpu.sync_copy(ox1, rx1_h.at[wid])
    pltpu.sync_copy(oy2, ry2_h.at[wid])
    pltpu.sync_copy(ox2, rx2_h.at[wid])
    pltpu.sync_copy(ocnt, cnt_h.at[wid])


_nms_sc = functools.partial(
    pl.kernel,
    out_type=(
        jax.ShapeDtypeStruct((NW, KP), jnp.int32),
        jax.ShapeDtypeStruct((NW, KP), jnp.float32),
        jax.ShapeDtypeStruct((NW, KP), jnp.float32),
        jax.ShapeDtypeStruct((NW, KP), jnp.float32),
        jax.ShapeDtypeStruct((NW, KP), jnp.float32),
        jax.ShapeDtypeStruct((NW, L), jnp.int32),
    ),
    mesh=plsc.VectorSubcoreMesh(core_axis_name="c", subcore_axis_name="s"),
    scratch_types=[
        pltpu.VMEM((NP,), jnp.float32),
        pltpu.VMEM((NP,), jnp.float32),
        pltpu.VMEM((NP,), jnp.float32),
        pltpu.VMEM((NP,), jnp.float32),
        pltpu.VMEM((NP,), jnp.int32),
        pltpu.VMEM((KP,), jnp.float32),
        pltpu.VMEM((KP,), jnp.float32),
        pltpu.VMEM((KP,), jnp.float32),
        pltpu.VMEM((KP,), jnp.float32),
        pltpu.VMEM((KP,), jnp.float32),
        pltpu.VMEM((KP,), jnp.int32),
        pltpu.VMEM((KP,), jnp.float32),
        pltpu.VMEM((KP,), jnp.float32),
        pltpu.VMEM((KP,), jnp.float32),
        pltpu.VMEM((KP,), jnp.float32),
        pltpu.VMEM((L,), jnp.int32),
    ],
    compiler_params=pltpu.CompilerParams(needs_layout_passes=False),
)(_nms_body)


def kernel(scoress, bboxess):
    probs = jax.nn.softmax(scoress, axis=2)
    sc = probs[:, :, 0]
    order_desc = jnp.argsort(sc, axis=1, stable=True)[:, ::-1].astype(jnp.int32)

    pad = ((0, 0), (0, NP - N))
    y1 = jnp.pad(bboxess[:, :, 0], pad)
    x1 = jnp.pad(bboxess[:, :, 1], pad)
    y2 = jnp.pad(bboxess[:, :, 2], pad)
    x2 = jnp.pad(bboxess[:, :, 3], pad)
    orderp = jnp.pad(order_desc, pad, constant_values=N)

    okeep, oy1, ox1, oy2, ox2, ocnt = _nms_sc(y1, x1, y2, x2, orderp)

    keeps = okeep[:B, :K_TOP].astype(jnp.int64)
    counts = ocnt[:B, :1].astype(jnp.int64)
    ret = jnp.stack([oy1[:B, :K_TOP], ox1[:B, :K_TOP],
                     oy2[:B, :K_TOP], ox2[:B, :K_TOP]], axis=-1)
    return (ret, counts, keeps)

# --- scband reference (transcript-rebuilt; emitter-appended) ---
"""Pipeline reference for scband-proposal-filter-63264868270541 (READ-ONLY COPY).

The authoritative reference and input builder live on the scoring server;
editing this copy changes nothing except your own understanding.
"""

import jax, jax.numpy as jnp
import numpy as np

K_TOP = 200
NMS_THR = 0.5


def _nms_np(boxes, scores, overlap, top_k):
    N = scores.shape[0]
    top_k = min(top_k, N)
    y1 = boxes[:, 0]; x1 = boxes[:, 1]; y2 = boxes[:, 2]; x2 = boxes[:, 3]
    area = (x2 - x1) * (y2 - y1)
    order = jnp.argsort(scores, stable=True)

    def cond(state):
        pos, count, keep, suppressed = state
        return jnp.logical_and(pos >= 0, count < top_k)

    def body(state):
        pos, count, keep, suppressed = state
        i = order[pos]
        take = jnp.logical_and(jnp.logical_not(suppressed[i]), area[i] >= 4)
        keep_new = keep.at[count].set(i.astype(keep.dtype))
        keep = jnp.where(take, keep_new, keep)
        ry1 = jnp.clip(y1, y1[i], y2[i])
        rx1 = jnp.clip(x1, x1[i], x2[i])
        ry2 = jnp.clip(y2, y1[i], y2[i])
        rx2 = jnp.clip(x2, x1[i], x2[i])
        inter = (rx2 - rx1) * (ry2 - ry1)
        union = area + area[i] - inter
        iou = inter / union
        sup_new = jnp.logical_or(suppressed, jnp.logical_not(iou <= overlap))
        suppressed = jnp.where(take, sup_new, suppressed)
        count = jnp.where(take, count + 1, count)
        return pos - 1, count, keep, suppressed

    pos0 = jnp.asarray(N - 1, dtype=jnp.int32)
    count0 = jnp.asarray(0, dtype=jnp.int32)
    keep0 = jnp.zeros(top_k, dtype=jnp.int64)
    sup0 = jnp.zeros(N, dtype=bool)
    _, count, keep, _ = jax.lax.while_loop(cond, body, (pos0, count0, keep0, sup0))
    return keep, count


def setup_inputs(seed: int = 0):
    key = jax.random.key(seed)
    k1, k2, k3, k4, k5 = jax.random.split(key, 5)
    B, N = 4, 5000
    scoress = jax.random.normal(k1, (B, N, 2), dtype=jnp.float32)
    cy = jax.random.uniform(k2, (B, N)) * 512.0
    cx = jax.random.uniform(k3, (B, N)) * 512.0
    h = jax.random.uniform(k4, (B, N)) * 60.0 + 8.0
    w = jax.random.uniform(k5, (B, N)) * 60.0 + 8.0
    bboxess = jnp.stack([cy - h / 2.0, cx - w / 2.0, cy + h / 2.0, cx + w / 2.0], axis=-1).astype(jnp.float32)
    return {"scoress": scoress, "bboxess": bboxess}


def reference(scoress, bboxess):
    probs = jax.nn.softmax(scoress, axis=2)
    sc = probs[:, :, 0]
    bx = bboxess
    B = sc.shape[0]
    keeps_l = []
    counts_l = []
    for b in range(B):
        keep, count = _nms_np(bx[b], sc[b], NMS_THR, K_TOP)
        keeps_l.append(keep)
        counts_l.append(count)
    keeps = jnp.stack(keeps_l)
    counts = jnp.stack(counts_l).astype(jnp.int64)[:, None]
    rets = []
    for b in range(B):
        c = counts_l[b]
        mask = jnp.arange(K_TOP) < c
        ret = jnp.where(mask[:, None], bboxess[b][keeps_l[b]], jnp.zeros((), dtype=jnp.float32))
        rets.append(ret)
    ret_bboxess = jnp.stack(rets)
    return (ret_bboxess, counts, keeps)

if __name__ == "__main__":
    import jax
    _d = setup_inputs()
    print(jax.jit(kernel)(*tuple(_d.values())))

</pallas_src>

<mosaic_0001>
#map = affine_map<(d0, d1) -> (0, 0)>
module attributes {stable_mosaic.version = 14 : i64} {
  func.func @_nms_body(%arg0: i32, %arg1: i32, %arg2: memref<4x5120xf32, #tpu.memory_space<hbm>>, %arg3: memref<4x5120xf32, #tpu.memory_space<hbm>>, %arg4: memref<4x5120xf32, #tpu.memory_space<hbm>>, %arg5: memref<4x5120xf32, #tpu.memory_space<hbm>>, %arg6: memref<4x5120xi32, #tpu.memory_space<hbm>>, %arg7: memref<32x208xi32, #tpu.memory_space<hbm>>, %arg8: memref<32x208xf32, #tpu.memory_space<hbm>>, %arg9: memref<32x208xf32, #tpu.memory_space<hbm>>, %arg10: memref<32x208xf32, #tpu.memory_space<hbm>>, %arg11: memref<32x208xf32, #tpu.memory_space<hbm>>, %arg12: memref<32x16xi32, #tpu.memory_space<hbm>>, %arg13: memref<5120xf32, #tpu.memory_space<vmem>>, %arg14: memref<5120xf32, #tpu.memory_space<vmem>>, %arg15: memref<5120xf32, #tpu.memory_space<vmem>>, %arg16: memref<5120xf32, #tpu.memory_space<vmem>>, %arg17: memref<5120xi32, #tpu.memory_space<vmem>>, %arg18: memref<208xf32, #tpu.memory_space<vmem>>, %arg19: memref<208xf32, #tpu.memory_space<vmem>>, %arg20: memref<208xf32, #tpu.memory_space<vmem>>, %arg21: memref<208xf32, #tpu.memory_space<vmem>>, %arg22: memref<208xf32, #tpu.memory_space<vmem>>, %arg23: memref<208xi32, #tpu.memory_space<vmem>>, %arg24: memref<208xf32, #tpu.memory_space<vmem>>, %arg25: memref<208xf32, #tpu.memory_space<vmem>>, %arg26: memref<208xf32, #tpu.memory_space<vmem>>, %arg27: memref<208xf32, #tpu.memory_space<vmem>>, %arg28: memref<16xi32, #tpu.memory_space<vmem>>) attributes {dimension_semantics = [#tpu.dimension_semantics<core_parallel>, #tpu.dimension_semantics<subcore_parallel>], iteration_bounds = array<i64: 2, 16>, scalar_prefetch = 0 : i64, scratch_operands = 16 : i64, tpu.core_type = #tpu.core_type<sc_vector_subcore>, window_params = [{transform_indices = #map}, {transform_indices = #map}, {transform_indices = #map}, {transform_indices = #map}, {transform_indices = #map}, {transform_indices = #map}, {transform_indices = #map}, {transform_indices = #map}, {transform_indices = #map}, {transform_indices = #map}, {transform_indices = #map}]} {
    %mul3A = arith.constant 2 : i32
    %mul3A_0 = arith.muli %arg1, %mul3A : i32
    %add3A = arith.addi %mul3A_0, %arg0 : i32
    %min3A = arith.constant 3 : i32
    %min3A_1 = arith.minsi %add3A, %min3A : i32
    "tpu.region"() ({
      %run_scoped3A = tpu.sem_alloc : memref<!tpu.dma_semaphore, #tpu.memory_space<semaphore_mem>>
      %dma_start3A = arith.constant 0 : i32
      %dma_start3A_288 = tpu.memref_slice %arg2[%min3A_1, %dma_start3A] : memref<4x5120xf32, #tpu.memory_space<hbm>> -> memref<1x5120xf32, #tpu.memory_space<hbm>>
      %dma_start3A_289 = tpu.memref_squeeze %dma_start3A_288 : memref<1x5120xf32, #tpu.memory_space<hbm>> -> memref<5120xf32, #tpu.memory_space<hbm>>
      %dma_start3A_290 = arith.constant 0 : i32
      %dma_start3A_291 = tpu.memref_slice %arg2[%min3A_1, %dma_start3A_290] : memref<4x5120xf32, #tpu.memory_space<hbm>> -> memref<1x5120xf32, #tpu.memory_space<hbm>>
      %dma_start3A_292 = tpu.memref_squeeze %dma_start3A_291 : memref<1x5120xf32, #tpu.memory_space<hbm>> -> memref<5120xf32, #tpu.memory_space<hbm>>
      tpu.enqueue_dma source(%dma_start3A_292 : memref<5120xf32, #tpu.memory_space<hbm>>) target(%arg13 : memref<5120xf32, #tpu.memory_space<vmem>>) target_semaphore(%run_scoped3A : memref<!tpu.dma_semaphore, #tpu.memory_space<semaphore_mem>>)
      %dma_wait3A = arith.constant 0 : i32
      %dma_wait3A_293 = tpu.memref_slice %arg2[%min3A_1, %dma_wait3A] : memref<4x5120xf32, #tpu.memory_space<hbm>> -> memref<1x5120xf32, #tpu.memory_space<hbm>>
      %dma_wait3A_294 = tpu.memref_squeeze %dma_wait3A_293 : memref<1x5120xf32, #tpu.memory_space<hbm>> -> memref<5120xf32, #tpu.memory_space<hbm>>
      %dma_wait3A_295 = arith.constant 0 : i32
      %dma_wait3A_296 = tpu.memref_slice %arg2[%min3A_1, %dma_wait3A_295] : memref<4x5120xf32, #tpu.memory_space<hbm>> -> memref<1x5120xf32, #tpu.memory_space<hbm>>
      %dma_wait3A_297 = tpu.memref_squeeze %dma_wait3A_296 : memref<1x5120xf32, #tpu.memory_space<hbm>> -> memref<5120xf32, #tpu.memory_space<hbm>>
      tpu.wait_dma2 semaphore(%run_scoped3A : memref<!tpu.dma_semaphore, #tpu.memory_space<semaphore_mem>>) src(%dma_wait3A_297 : memref<5120xf32, #tpu.memory_space<hbm>>) dst(%arg13 : memref<5120xf32, #tpu.memory_space<vmem>>)
      tpu.yield
    }) : () -> ()
    "tpu.region"() ({
      %run_scoped3A = tpu.sem_alloc : memref<!tpu.dma_semaphore, #tpu.memory_space<semaphore_mem>>
      %dma_start3A = arith.constant 0 : i32
      %dma_start3A_288 = tpu.memref_slice %arg3[%min3A_1, %dma_start3A] : memref<4x5120xf32, #tpu.memory_space<hbm>> -> memref<1x5120xf32, #tpu.memory_space<hbm>>
      %dma_start3A_289 = tpu.memref_squeeze %dma_start3A_288 : memref<1x5120xf32, #tpu.memory_space<hbm>> -> memref<5120xf32, #tpu.memory_space<hbm>>
      %dma_start3A_290 = arith.constant 0 : i32
      %dma_start3A_291 = tpu.memref_slice %arg3[%min3A_1, %dma_start3A_290] : memref<4x5120xf32, #tpu.memory_space<hbm>> -> memref<1x5120xf32, #tpu.memory_space<hbm>>
      %dma_start3A_292 = tpu.memref_squeeze %dma_start3A_291 : memref<1x5120xf32, #tpu.memory_space<hbm>> -> memref<5120xf32, #tpu.memory_space<hbm>>
      tpu.enqueue_dma source(%dma_start3A_292 : memref<5120xf32, #tpu.memory_space<hbm>>) target(%arg14 : memref<5120xf32, #tpu.memory_space<vmem>>) target_semaphore(%run_scoped3A : memref<!tpu.dma_semaphore, #tpu.memory_space<semaphore_mem>>)
      %dma_wait3A = arith.constant 0 : i32
      %dma_wait3A_293 = tpu.memref_slice %arg3[%min3A_1, %dma_wait3A] : memref<4x5120xf32, #tpu.memory_space<hbm>> -> memref<1x5120xf32, #tpu.memory_space<hbm>>
      %dma_wait3A_294 = tpu.memref_squeeze %dma_wait3A_293 : memref<1x5120xf32, #tpu.memory_space<hbm>> -> memref<5120xf32, #tpu.memory_space<hbm>>
      %dma_wait3A_295 = arith.constant 0 : i32
      %dma_wait3A_296 = tpu.memref_slice %arg3[%min3A_1, %dma_wait3A_295] : memref<4x5120xf32, #tpu.memory_space<hbm>> -> memref<1x5120xf32, #tpu.memory_space<hbm>>
      %dma_wait3A_297 = tpu.memref_squeeze %dma_wait3A_296 : memref<1x5120xf32, #tpu.memory_space<hbm>> -> memref<5120xf32, #tpu.memory_space<hbm>>
      tpu.wait_dma2 semaphore(%run_scoped3A : memref<!tpu.dma_semaphore, #tpu.memory_space<semaphore_mem>>) src(%dma_wait3A_297 : memref<5120xf32, #tpu.memory_space<hbm>>) dst(%arg14 : memref<5120xf32, #tpu.memory_space<vmem>>)
      tpu.yield
    }) : () -> ()
    "tpu.region"() ({
      %run_scoped3A = tpu.sem_alloc : memref<!tpu.dma_semaphore, #tpu.memory_space<semaphore_mem>>
      %dma_start3A = arith.constant 0 : i32
      %dma_start3A_288 = tpu.memref_slice %arg4[%min3A_1, %dma_start3A] : memref<4x5120xf32, #tpu.memory_space<hbm>> -> memref<1x5120xf32, #tpu.memory_space<hbm>>
      %dma_start3A_289 = tpu.memref_squeeze %dma_start3A_288 : memref<1x5120xf32, #tpu.memory_space<hbm>> -> memref<5120xf32, #tpu.memory_space<hbm>>
      %dma_start3A_290 = arith.constant 0 : i32
      %dma_start3A_291 = tpu.memref_slice %arg4[%min3A_1, %dma_start3A_290] : memref<4x5120xf32, #tpu.memory_space<hbm>> -> memref<1x5120xf32, #tpu.memory_space<hbm>>
      %dma_start3A_292 = tpu.memref_squeeze %dma_start3A_291 : memref<1x5120xf32, #tpu.memory_space<hbm>> -> memref<5120xf32, #tpu.memory_space<hbm>>
      tpu.enqueue_dma source(%dma_start3A_292 : memref<5120xf32, #tpu.memory_space<hbm>>) target(%arg15 : memref<5120xf32, #tpu.memory_space<vmem>>) target_semaphore(%run_scoped3A : memref<!tpu.dma_semaphore, #tpu.memory_space<semaphore_mem>>)
      %dma_wait3A = arith.constant 0 : i32
      %dma_wait3A_293 = tpu.memref_slice %arg4[%min3A_1, %dma_wait3A] : memref<4x5120xf32, #tpu.memory_space<hbm>> -> memref<1x5120xf32, #tpu.memory_space<hbm>>
      %dma_wait3A_294 = tpu.memref_squeeze %dma_wait3A_293 : memref<1x5120xf32, #tpu.memory_space<hbm>> -> memref<5120xf32, #tpu.memory_space<hbm>>
      %dma_wait3A_295 = arith.constant 0 : i32
      %dma_wait3A_296 = tpu.memref_slice %arg4[%min3A_1, %dma_wait3A_295] : memref<4x5120xf32, #tpu.memory_space<hbm>> -> memref<1x5120xf32, #tpu.memory_space<hbm>>
      %dma_wait3A_297 = tpu.memref_squeeze %dma_wait3A_296 : memref<1x5120xf32, #tpu.memory_space<hbm>> -> memref<5120xf32, #tpu.memory_space<hbm>>
      tpu.wait_dma2 semaphore(%run_scoped3A : memref<!tpu.dma_semaphore, #tpu.memory_space<semaphore_mem>>) src(%dma_wait3A_297 : memref<5120xf32, #tpu.memory_space<hbm>>) dst(%arg15 : memref<5120xf32, #tpu.memory_space<vmem>>)
      tpu.yield
    }) : () -> ()
    "tpu.region"() ({
      %run_scoped3A = tpu.sem_alloc : memref<!tpu.dma_semaphore, #tpu.memory_space<semaphore_mem>>
      %dma_start3A = arith.constant 0 : i32
      %dma_start3A_288 = tpu.memref_slice %arg5[%min3A_1, %dma_start3A] : memref<4x5120xf32, #tpu.memory_space<hbm>> -> memref<1x5120xf32, #tpu.memory_space<hbm>>
      %dma_start3A_289 = tpu.memref_squeeze %dma_start3A_288 : memref<1x5120xf32, #tpu.memory_space<hbm>> -> memref<5120xf32, #tpu.memory_space<hbm>>
      %dma_start3A_290 = arith.constant 0 : i32
      %dma_start3A_291 = tpu.memref_slice %arg5[%min3A_1, %dma_start3A_290] : memref<4x5120xf32, #tpu.memory_space<hbm>> -> memref<1x5120xf32, #tpu.memory_space<hbm>>
      %dma_start3A_292 = tpu.memref_squeeze %dma_start3A_291 : memref<1x5120xf32, #tpu.memory_space<hbm>> -> memref<5120xf32, #tpu.memory_space<hbm>>
      tpu.enqueue_dma source(%dma_start3A_292 : memref<5120xf32, #tpu.memory_space<hbm>>) target(%arg16 : memref<5120xf32, #tpu.memory_space<vmem>>) target_semaphore(%run_scoped3A : memref<!tpu.dma_semaphore, #tpu.memory_space<semaphore_mem>>)
      %dma_wait3A = arith.constant 0 : i32
      %dma_wait3A_293 = tpu.memref_slice %arg5[%min3A_1, %dma_wait3A] : memref<4x5120xf32, #tpu.memory_space<hbm>> -> memref<1x5120xf32, #tpu.memory_space<hbm>>
      %dma_wait3A_294 = tpu.memref_squeeze %dma_wait3A_293 : memref<1x5120xf32, #tpu.memory_space<hbm>> -> memref<5120xf32, #tpu.memory_space<hbm>>
      %dma_wait3A_295 = arith.constant 0 : i32
      %dma_wait3A_296 = tpu.memref_slice %arg5[%min3A_1, %dma_wait3A_295] : memref<4x5120xf32, #tpu.memory_space<hbm>> -> memref<1x5120xf32, #tpu.memory_space<hbm>>
      %dma_wait3A_297 = tpu.memref_squeeze %dma_wait3A_296 : memref<1x5120xf32, #tpu.memory_space<hbm>> -> memref<5120xf32, #tpu.memory_space<hbm>>
      tpu.wait_dma2 semaphore(%run_scoped3A : memref<!tpu.dma_semaphore, #tpu.memory_space<semaphore_mem>>) src(%dma_wait3A_297 : memref<5120xf32, #tpu.memory_space<hbm>>) dst(%arg16 : memref<5120xf32, #tpu.memory_space<vmem>>)
      tpu.yield
    }) : () -> ()
    "tpu.region"() ({
      %run_scoped3A = tpu.sem_alloc : memref<!tpu.dma_semaphore, #tpu.memory_space<semaphore_mem>>
      %dma_start3A = arith.constant 0 : i32
      %dma_start3A_288 = tpu.memref_slice %arg6[%min3A_1, %dma_start3A] : memref<4x5120xi32, #tpu.memory_space<hbm>> -> memref<1x5120xi32, #tpu.memory_space<hbm>>
      %dma_start3A_289 = tpu.memref_squeeze %dma_start3A_288 : memref<1x5120xi32, #tpu.memory_space<hbm>> -> memref<5120xi32, #tpu.memory_space<hbm>>
      %dma_start3A_290 = arith.constant 0 : i32
      %dma_start3A_291 = tpu.memref_slice %arg6[%min3A_1, %dma_start3A_290] : memref<4x5120xi32, #tpu.memory_space<hbm>> -> memref<1x5120xi32, #tpu.memory_space<hbm>>
      %dma_start3A_292 = tpu.memref_squeeze %dma_start3A_291 : memref<1x5120xi32, #tpu.memory_space<hbm>> -> memref<5120xi32, #tpu.memory_space<hbm>>
      tpu.enqueue_dma source(%dma_start3A_292 : memref<5120xi32, #tpu.memory_space<hbm>>) target(%arg17 : memref<5120xi32, #tpu.memory_space<vmem>>) target_semaphore(%run_scoped3A : memref<!tpu.dma_semaphore, #tpu.memory_space<semaphore_mem>>)
      %dma_wait3A = arith.constant 0 : i32
      %dma_wait3A_293 = tpu.memref_slice %arg6[%min3A_1, %dma_wait3A] : memref<4x5120xi32, #tpu.memory_space<hbm>> -> memref<1x5120xi32, #tpu.memory_space<hbm>>
      %dma_wait3A_294 = tpu.memref_squeeze %dma_wait3A_293 : memref<1x5120xi32, #tpu.memory_space<hbm>> -> memref<5120xi32, #tpu.memory_space<hbm>>
      %dma_wait3A_295 = arith.constant 0 : i32
      %dma_wait3A_296 = tpu.memref_slice %arg6[%min3A_1, %dma_wait3A_295] : memref<4x5120xi32, #tpu.memory_space<hbm>> -> memref<1x5120xi32, #tpu.memory_space<hbm>>
      %dma_wait3A_297 = tpu.memref_squeeze %dma_wait3A_296 : memref<1x5120xi32, #tpu.memory_space<hbm>> -> memref<5120xi32, #tpu.memory_space<hbm>>
      tpu.wait_dma2 semaphore(%run_scoped3A : memref<!tpu.dma_semaphore, #tpu.memory_space<semaphore_mem>>) src(%dma_wait3A_297 : memref<5120xi32, #tpu.memory_space<hbm>>) dst(%arg17 : memref<5120xi32, #tpu.memory_space<vmem>>)
      tpu.yield
    }) : () -> ()
    %broadcast_in_dim3A = arith.constant 0.000000e+00 : f32
    %broadcast_in_dim3A_2 = vector.broadcast %broadcast_in_dim3A : f32 to vector<16xf32>
    %broadcast_in_dim3A_3 = arith.constant 0 : i32
    %broadcast_in_dim3A_4 = vector.broadcast %broadcast_in_dim3A_3 : i32 to vector<16xi32>
    %swap3A = arith.constant 0 : index
    %swap3A_5 = tpu.vector_load %arg18[%swap3A] {strides = array<i32>} : memref<208xf32, #tpu.memory_space<vmem>>, vector<16xf32>,
    tpu.vector_store %arg18[%swap3A], %broadcast_in_dim3A_2 {strides = array<i32>} : memref<208xf32, #tpu.memory_space<vmem>>, vector<16xf32>,
    %swap3A_6 = arith.constant 0 : index
    %swap3A_7 = tpu.vector_load %arg19[%swap3A_6] {strides = array<i32>} : memref<208xf32, #tpu.memory_space<vmem>>, vector<16xf32>,
    tpu.vector_store %arg19[%swap3A_6], %broadcast_in_dim3A_2 {strides = array<i32>} : memref<208xf32, #tpu.memory_space<vmem>>, vector<16xf32>,
    %swap3A_8 = arith.constant 0 : index
    %swap3A_9 = tpu.vector_load %arg20[%swap3A_8] {strides = array<i32>} : memref<208xf32, #tpu.memory_space<vmem>>, vector<16xf32>,
    tpu.vector_store %arg20[%swap3A_8], %broadcast_in_dim3A_2 {strides = array<i32>} : memref<208xf32, #tpu.memory_space<vmem>>, vector<16xf32>,
    %swap3A_10 = arith.constant 0 : index
    %swap3A_11 = tpu.vector_load %arg21[%swap3A_10] {strides = array<i32>} : memref<208xf32, #tpu.memory_space<vmem>>, vector<16xf32>,
    tpu.vector_store %arg21[%swap3A_10], %broadcast_in_dim3A_2 {strides = array<i32>} : memref<208xf32, #tpu.memory_space<vmem>>, vector<16xf32>,
    %swap3A_12 = arith.constant 0 : index
    %swap3A_13 = tpu.vector_load %arg22[%swap3A_12] {strides = array<i32>} : memref<208xf32, #tpu.memory_space<vmem>>, vector<16xf32>,
    tpu.vector_store %arg22[%swap3A_12], %broadcast_in_dim3A_2 {strides = array<i32>} : memref<208xf32, #tpu.memory_space<vmem>>, vector<16xf32>,
    %swap3A_14 = arith.constant 0 : index
    %swap3A_15 = tpu.vector_load %arg23[%swap3A_14] {strides = array<i32>} : memref<208xi32, #tpu.memory_space<vmem>>, vector<16xi32>,
    tpu.vector_store %arg23[%swap3A_14], %broadcast_in_dim3A_4 {strides = array<i32>} : memref<208xi32, #tpu.memory_space<vmem>>, vector<16xi32>,
    %swap3A_16 = arith.constant 0 : index
    %swap3A_17 = tpu.vector_load %arg24[%swap3A_16] {strides = array<i32>} : memref<208xf32, #tpu.memory_space<vmem>>, vector<16xf32>,
    tpu.vector_store %arg24[%swap3A_16], %broadcast_in_dim3A_2 {strides = array<i32>} : memref<208xf32, #tpu.memory_space<vmem>>, vector<16xf32>,
    %swap3A_18 = arith.constant 0 : index
    %swap3A_19 = tpu.vector_load %arg25[%swap3A_18] {strides = array<i32>} : memref<208xf32, #tpu.memory_space<vmem>>, vector<16xf32>,
    tpu.vector_store %arg25[%swap3A_18], %broadcast_in_dim3A_2 {strides = array<i32>} : memref<208xf32, #tpu.memory_space<vmem>>, vector<16xf32>,
    %swap3A_20 = arith.constant 0 : index
    %swap3A_21 = tpu.vector_load %arg26[%swap3A_20] {strides = array<i32>} : memref<208xf32, #tpu.memory_space<vmem>>, vector<16xf32>,
    tpu.vector_store %arg26[%swap3A_20], %broadcast_in_dim3A_2 {strides = array<i32>} : memref<208xf32, #tpu.memory_space<vmem>>, vector<16xf32>,
    %swap3A_22 = arith.constant 0 : index
    %swap3A_23 = tpu.vector_load %arg27[%swap3A_22] {strides = array<i32>} : memref<208xf32, #tpu.memory_space<vmem>>, vector<16xf32>,
    tpu.vector_store %arg27[%swap3A_22], %broadcast_in_dim3A_2 {strides = array<i32>} : memref<208xf32, #tpu.memory_space<vmem>>, vector<16xf32>,
    %swap3A_24 = arith.constant 16 : index
    %swap3A_25 = tpu.vector_load %arg18[%swap3A_24] {strides = array<i32>} : memref<208xf32, #tpu.memory_space<vmem>>, vector<16xf32>,
    tpu.vector_store %arg18[%swap3A_24], %broadcast_in_dim3A_2 {strides = array<i32>} : memref<208xf32, #tpu.memory_space<vmem>>, vector<16xf32>,
    %swap3A_26 = arith.constant 16 : index
    %swap3A_27 = tpu.vector_load %arg19[%swap3A_26] {strides = array<i32>} : memref<208xf32, #tpu.memory_space<vmem>>, vector<16xf32>,
    tpu.vector_store %arg19[%swap3A_26], %broadcast_in_dim3A_2 {strides = array<i32>} : memref<208xf32, #tpu.memory_space<vmem>>, vector<16xf32>,
    %swap3A_28 = arith.constant 16 : index
    %swap3A_29 = tpu.vector_load %arg20[%swap3A_28] {strides = array<i32>} : memref<208xf32, #tpu.memory_space<vmem>>, vector<16xf32>,
    tpu.vector_store %arg20[%swap3A_28], %broadcast_in_dim3A_2 {strides = array<i32>} : memref<208xf32, #tpu.memory_space<vmem>>, vector<16xf32>,
    %swap3A_30 = arith.constant 16 : index
    %swap3A_31 = tpu.vector_load %arg21[%swap3A_30] {strides = array<i32>} : memref<208xf32, #tpu.memory_space<vmem>>, vector<16xf32>,
    tpu.vector_store %arg21[%swap3A_30], %broadcast_in_dim3A_2 {strides = array<i32>} : memref<208xf32, #tpu.memory_space<vmem>>, vector<16xf32>,
    %swap3A_32 = arith.constant 16 : index
    %swap3A_33 = tpu.vector_load %arg22[%swap3A_32] {strides = array<i32>} : memref<208xf32, #tpu.memory_space<vmem>>, vector<16xf32>,
    tpu.vector_store %arg22[%swap3A_32], %broadcast_in_dim3A_2 {strides = array<i32>} : memref<208xf32, #tpu.memory_space<vmem>>, vector<16xf32>,
    %swap3A_34 = arith.constant 16 : index
    %swap3A_35 = tpu.vector_load %arg23[%swap3A_34] {strides = array<i32>} : memref<208xi32, #tpu.memory_space<vmem>>, vector<16xi32>,
    tpu.vector_store %arg23[%swap3A_34], %broadcast_in_dim3A_4 {strides = array<i32>} : memref<208xi32, #tpu.memory_space<vmem>>, vector<16xi32>,
    %swap3A_36 = arith.constant 16 : index
    %swap3A_37 = tpu.vector_load %arg24[%swap3A_36] {strides = array<i32>} : memref<208xf32, #tpu.memory_space<vmem>>, vector<16xf32>,
    tpu.vector_store %arg24[%swap3A_36], %broadcast_in_dim3A_2 {strides = array<i32>} : memref<208xf32, #tpu.memory_space<vmem>>, vector<16xf32>,
    %swap3A_38 = arith.constant 16 : index
    %swap3A_39 = tpu.vector_load %arg25[%swap3A_38] {strides = array<i32>} : memref<208xf32, #tpu.memory_space<vmem>>, vector<16xf32>,
    tpu.vector_store %arg25[%swap3A_38], %broadcast_in_dim3A_2 {strides = array<i32>} : memref<208xf32, #tpu.memory_space<vmem>>, vector<16xf32>,
    %swap3A_40 = arith.constant 16 : index
    %swap3A_41 = tpu.vector_load %arg26[%swap3A_40] {strides = array<i32>} : memref<208xf32, #tpu.memory_space<vmem>>, vector<16xf32>,
    tpu.vector_store %arg26[%swap3A_40], %broadcast_in_dim3A_2 {strides = array<i32>} : memref<208xf32, #tpu.memory_space<vmem>>, vector<16xf32>,
    %swap3A_42 = arith.constant 16 : index
    %swap3A_43 = tpu.vector_load %arg27[%swap3A_42] {strides = array<i32>} : memref<208xf32, #tpu.memory_space<vmem>>, vector<16xf32>,
    tpu.vector_store %arg27[%swap3A_42], %broadcast_in_dim3A_2 {strides = array<i32>} : memref<208xf32, #tpu.memory_space<vmem>>, vector<16xf32>,
    %swap3A_44 = arith.constant 32 : index
    %swap3A_45 = tpu.vector_load %arg18[%swap3A_44] {strides = array<i32>} : memref<208xf32, #tpu.memory_space<vmem>>, vector<16xf32>,
    tpu.vector_store %arg18[%swap3A_44], %broadcast_in_dim3A_2 {strides = array<i32>} : memref<208xf32, #tpu.memory_space<vmem>>, vector<16xf32>,
    %swap3A_46 = arith.constant 32 : index
    %swap3A_47 = tpu.vector_load %arg19[%swap3A_46] {strides = array<i32>} : memref<208xf32, #tpu.memory_space<vmem>>, vector<16xf32>,
    tpu.vector_store %arg19[%swap3A_46], %broadcast_in_dim3A_2 {strides = array<i32>} : memref<208xf32, #tpu.memory_space<vmem>>, vector<16xf32>,
    %swap3A_48 = arith.constant 32 : index
    %swap3A_49 = tpu.vector_load %arg20[%swap3A_48] {strides = array<i32>} : memref<208xf32, #tpu.memory_space<vmem>>, vector<16xf32>,
    tpu.vector_store %arg20[%swap3A_48], %broadcast_in_dim3A_2 {strides = array<i32>} : memref<208xf32, #tpu.memory_space<vmem>>, vector<16xf32>,
    %swap3A_50 = arith.constant 32 : index
    %swap3A_51 = tpu.vector_load %arg21[%swap3A_50] {strides = array<i32>} : memref<208xf32, #tpu.memory_space<vmem>>, vector<16xf32>,
    tpu.vector_store %arg21[%swap3A_50], %broadcast_in_dim3A_2 {strides = array<i32>} : memref<208xf32, #tpu.memory_space<vmem>>, vector<16xf32>,
    %swap3A_52 = arith.constant 32 : index
    %swap3A_53 = tpu.vector_load %arg22[%swap3A_52] {strides = array<i32>} : memref<208xf32, #tpu.memory_space<vmem>>, vector<16xf32>,
    tpu.vector_store %arg22[%swap3A_52], %broadcast_in_dim3A_2 {strides = array<i32>} : memref<208xf32, #tpu.memory_space<vmem>>, vector<16xf32>,
    %swap3A_54 = arith.constant 32 : index
    %swap3A_55 = tpu.vector_load %arg23[%swap3A_54] {strides = array<i32>} : memref<208xi32, #tpu.memory_space<vmem>>, vector<16xi32>,
    tpu.vector_store %arg23[%swap3A_54], %broadcast_in_dim3A_4 {strides = array<i32>} : memref<208xi32, #tpu.memory_space<vmem>>, vector<16xi32>,
    %swap3A_56 = arith.constant 32 : index
    %swap3A_57 = tpu.vector_load %arg24[%swap3A_56] {strides = array<i32>} : memref<208xf32, #tpu.memory_space<vmem>>, vector<16xf32>,
    tpu.vector_store %arg24[%swap3A_56], %broadcast_in_dim3A_2 {strides = array<i32>} : memref<208xf32, #tpu.memory_space<vmem>>, vector<16xf32>,
    %swap3A_58 = arith.constant 32 : index
    %swap3A_59 = tpu.vector_load %arg25[%swap3A_58] {strides = array<i32>} : memref<208xf32, #tpu.memory_space<vmem>>, vector<16xf32>,
    tpu.vector_store %arg25[%swap3A_58], %broadcast_in_dim3A_2 {strides = array<i32>} : memref<208xf32, #tpu.memory_space<vmem>>, vector<16xf32>,
    %swap3A_60 = arith.constant 32 : index
    %swap3A_61 = tpu.vector_load %arg26[%swap3A_60] {strides = array<i32>} : memref<208xf32, #tpu.memory_space<vmem>>, vector<16xf32>,
    tpu.vector_store %arg26[%swap3A_60], %broadcast_in_dim3A_2 {strides = array<i32>} : memref<208xf32, #tpu.memory_space<vmem>>, vector<16xf32>,
    %swap3A_62 = arith.constant 32 : index
    %swap3A_63 = tpu.vector_load %arg27[%swap3A_62] {strides = array<i32>} : memref<208xf32, #tpu.memory_space<vmem>>, vector<16xf32>,
    tpu.vector_store %arg27[%swap3A_62], %broadcast_in_dim3A_2 {strides = array<i32>} : memref<208xf32, #tpu.memory_space<vmem>>, vector<16xf32>,
    %swap3A_64 = arith.constant 48 : index
    %swap3A_65 = tpu.vector_load %arg18[%swap3A_64] {strides = array<i32>} : memref<208xf32, #tpu.memory_space<vmem>>, vector<16xf32>,
    tpu.vector_store %arg18[%swap3A_64], %broadcast_in_dim3A_2 {strides = array<i32>} : memref<208xf32, #tpu.memory_space<vmem>>, vector<16xf32>,
    %swap3A_66 = arith.constant 48 : index
    %swap3A_67 = tpu.vector_load %arg19[%swap3A_66] {strides = array<i32>} : memref<208xf32, #tpu.memory_space<vmem>>, vector<16xf32>,
    tpu.vector_store %arg19[%swap3A_66], %broadcast_in_dim3A_2 {strides = array<i32>} : memref<208xf32, #tpu.memory_space<vmem>>, vector<16xf32>,
    %swap3A_68 = arith.constant 48 : index
    %swap3A_69 = tpu.vector_load %arg20[%swap3A_68] {strides = array<i32>} : memref<208xf32, #tpu.memory_space<vmem>>, vector<16xf32>,
    tpu.vector_store %arg20[%swap3A_68], %broadcast_in_dim3A_2 {strides = array<i32>} : memref<208xf32, #tpu.memory_space<vmem>>, vector<16xf32>,
    %swap3A_70 = arith.constant 48 : index
    %swap3A_71 = tpu.vector_load %arg21[%swap3A_70] {strides = array<i32>} : memref<208xf32, #tpu.memory_space<vmem>>, vector<16xf32>,
    tpu.vector_store %arg21[%swap3A_70], %broadcast_in_dim3A_2 {strides = array<i32>} : memref<208xf32, #tpu.memory_space<vmem>>, vector<16xf32>,
    %swap3A_72 = arith.constant 48 : index
    %swap3A_73 = tpu.vector_load %arg22[%swap3A_72] {strides = array<i32>} : memref<208xf32, #tpu.memory_space<vmem>>, vector<16xf32>,
    tpu.vector_store %arg22[%swap3A_72], %broadcast_in_dim3A_2 {strides = array<i32>} : memref<208xf32, #tpu.memory_space<vmem>>, vector<16xf32>,
    %swap3A_74 = arith.constant 48 : index
    %swap3A_75 = tpu.vector_load %arg23[%swap3A_74] {strides = array<i32>} : memref<208xi32, #tpu.memory_space<vmem>>, vector<16xi32>,
    tpu.vector_store %arg23[%swap3A_74], %broadcast_in_dim3A_4 {strides = array<i32>} : memref<208xi32, #tpu.memory_space<vmem>>, vector<16xi32>,
    %swap3A_76 = arith.constant 48 : index
    %swap3A_77 = tpu.vector_load %arg24[%swap3A_76] {strides = array<i32>} : memref<208xf32, #tpu.memory_space<vmem>>, vector<16xf32>,
    tpu.vector_store %arg24[%swap3A_76], %broadcast_in_dim3A_2 {strides = array<i32>} : memref<208xf32, #tpu.memory_space<vmem>>, vector<16xf32>,
    %swap3A_78 = arith.constant 48 : index
    %swap3A_79 = tpu.vector_load %arg25[%swap3A_78] {strides = array<i32>} : memref<208xf32, #tpu.memory_space<vmem>>, vector<16xf32>,
    tpu.vector_store %arg25[%swap3A_78], %broadcast_in_dim3A_2 {strides = array<i32>} : memref<208xf32, #tpu.memory_space<vmem>>, vector<16xf32>,
    %swap3A_80 = arith.constant 48 : index
    %swap3A_81 = tpu.vector_load %arg26[%swap3A_80] {strides = array<i32>} : memref<208xf32, #tpu.memory_space<vmem>>, vector<16xf32>,
    tpu.vector_store %arg26[%swap3A_80], %broadcast_in_dim3A_2 {strides = array<i32>} : memref<208xf32, #tpu.memory_space<vmem>>, vector<16xf32>,
    %swap3A_82 = arith.constant 48 : index
    %swap3A_83 = tpu.vector_load %arg27[%swap3A_82] {strides = array<i32>} : memref<208xf32, #tpu.memory_space<vmem>>, vector<16xf32>,
    tpu.vector_store %arg27[%swap3A_82], %broadcast_in_dim3A_2 {strides = array<i32>} : memref<208xf32, #tpu.memory_space<vmem>>, vector<16xf32>,
    %swap3A_84 = arith.constant 64 : index
    %swap3A_85 = tpu.vector_load %arg18[%swap3A_84] {strides = array<i32>} : memref<208xf32, #tpu.memory_space<vmem>>, vector<16xf32>,
    tpu.vector_store %arg18[%swap3A_84], %broadcast_in_dim3A_2 {strides = array<i32>} : memref<208xf32, #tpu.memory_space<vmem>>, vector<16xf32>,
    %swap3A_86 = arith.constant 64 : index
    %swap3A_87 = tpu.vector_load %arg19[%swap3A_86] {strides = array<i32>} : memref<208xf32, #tpu.memory_space<vmem>>, vector<16xf32>,
    tpu.vector_store %arg19[%swap3A_86], %broadcast_in_dim3A_2 {strides = array<i32>} : memref<208xf32, #tpu.memory_space<vmem>>, vector<16xf32>,
    %swap3A_88 = arith.constant 64 : index
    %swap3A_89 = tpu.vector_load %arg20[%swap3A_88] {strides = array<i32>} : memref<208xf32, #tpu.memory_space<vmem>>, vector<16xf32>,
    tpu.vector_store %arg20[%swap3A_88], %broadcast_in_dim3A_2 {strides = array<i32>} : memref<208xf32, #tpu.memory_space<vmem>>, vector<16xf32>,
    %swap3A_90 = arith.constant 64 : index
    %swap3A_91 = tpu.vector_load %arg21[%swap3A_90] {strides = array<i32>} : memref<208xf32, #tpu.memory_space<vmem>>, vector<16xf32>,
    tpu.vector_store %arg21[%swap3A_90], %broadcast_in_dim3A_2 {strides = array<i32>} : memref<208xf32, #tpu.memory_space<vmem>>, vector<16xf32>,
    %swap3A_92 = arith.constant 64 : index
    %swap3A_93 = tpu.vector_load %arg22[%swap3A_92] {strides = array<i32>} : memref<208xf32, #tpu.memory_space<vmem>>, vector<16xf32>,
    tpu.vector_store %arg22[%swap3A_92], %broadcast_in_dim3A_2 {strides = array<i32>} : memref<208xf32, #tpu.memory_space<vmem>>, vector<16xf32>,
    %swap3A_94 = arith.constant 64 : index
    %swap3A_95 = tpu.vector_load %arg23[%swap3A_94] {strides = array<i32>} : memref<208xi32, #tpu.memory_space<vmem>>, vector<16xi32>,
    tpu.vector_store %arg23[%swap3A_94], %broadcast_in_dim3A_4 {strides = array<i32>} : memref<208xi32, #tpu.memory_space<vmem>>, vector<16xi32>,
    %swap3A_96 = arith.constant 64 : index
    %swap3A_97 = tpu.vector_load %arg24[%swap3A_96] {strides = array<i32>} : memref<208xf32, #tpu.memory_space<vmem>>, vector<16xf32>,
    tpu.vector_store %arg24[%swap3A_96], %broadcast_in_dim3A_2 {strides = array<i32>} : memref<208xf32, #tpu.memory_space<vmem>>, vector<16xf32>,
    %swap3A_98 = arith.constant 64 : index
    %swap3A_99 = tpu.vector_load %arg25[%swap3A_98] {strides = array<i32>} : memref<208xf32, #tpu.memory_space<vmem>>, vector<16xf32>,
    tpu.vector_store %arg25[%swap3A_98], %broadcast_in_dim3A_2 {strides = array<i32>} : memref<208xf32, #tpu.memory_space<vmem>>, vector<16xf32>,
    %swap3A_100 = arith.constant 64 : index
    %swap3A_101 = tpu.vector_load %arg26[%swap3A_100] {strides = array<i32>} : memref<208xf32, #tpu.memory_space<vmem>>, vector<16xf32>,
    tpu.vector_store %arg26[%swap3A_100], %broadcast_in_dim3A_2 {strides = array<i32>} : memref<208xf32, #tpu.memory_space<vmem>>, vector<16xf32>,
    %swap3A_102 = arith.constant 64 : index
    %swap3A_103 = tpu.vector_load %arg27[%swap3A_102] {strides = array<i32>} : memref<208xf32, #tpu.memory_space<vmem>>, vector<16xf32>,
    tpu.vector_store %arg27[%swap3A_102], %broadcast_in_dim3A_2 {strides = array<i32>} : memref<208xf32, #tpu.memory_space<vmem>>, vector<16xf32>,
    %swap3A_104 = arith.constant 80 : index
    %swap3A_105 = tpu.vector_load %arg18[%swap3A_104] {strides = array<i32>} : memref<208xf32, #tpu.memory_space<vmem>>, vector<16xf32>,
    tpu.vector_store %arg18[%swap3A_104], %broadcast_in_dim3A_2 {strides = array<i32>} : memref<208xf32, #tpu.memory_space<vmem>>, vector<16xf32>,
    %swap3A_106 = arith.constant 80 : index
    %swap3A_107 = tpu.vector_load %arg19[%swap3A_106] {strides = array<i32>} : memref<208xf32, #tpu.memory_space<vmem>>, vector<16xf32>,
    tpu.vector_store %arg19[%swap3A_106], %broadcast_in_dim3A_2 {strides = array<i32>} : memref<208xf32, #tpu.memory_space<vmem>>, vector<16xf32>,
    %swap3A_108 = arith.constant 80 : index
    %swap3A_109 = tpu.vector_load %arg20[%swap3A_108] {strides = array<i32>} : memref<208xf32, #tpu.memory_space<vmem>>, vector<16xf32>,
    tpu.vector_store %arg20[%swap3A_108], %broadcast_in_dim3A_2 {strides = array<i32>} : memref<208xf32, #tpu.memory_space<vmem>>, vector<16xf32>,
    %swap3A_110 = arith.constant 80 : index
    %swap3A_111 = tpu.vector_load %arg21[%swap3A_110] {strides = array<i32>} : memref<208xf32, #tpu.memory_space<vmem>>, vector<16xf32>,
    tpu.vector_store %arg21[%swap3A_110], %broadcast_in_dim3A_2 {strides = array<i32>} : memref<208xf32, #tpu.memory_space<vmem>>, vector<16xf32>,
    %swap3A_112 = arith.constant 80 : index
    %swap3A_113 = tpu.vector_load %arg22[%swap3A_112] {strides = array<i32>} : memref<208xf32, #tpu.memory_space<vmem>>, vector<16xf32>,
    tpu.vector_store %arg22[%swap3A_112], %broadcast_in_dim3A_2 {strides = array<i32>} : memref<208xf32, #tpu.memory_space<vmem>>, vector<16xf32>,
    %swap3A_114 = arith.constant 80 : index
    %swap3A_115 = tpu.vector_load %arg23[%swap3A_114] {strides = array<i32>} : memref<208xi32, #tpu.memory_space<vmem>>, vector<16xi32>,
    tpu.vector_store %arg23[%swap3A_114], %broadcast_in_dim3A_4 {strides = array<i32>} : memref<208xi32, #tpu.memory_space<vmem>>, vector<16xi32>,
    %swap3A_116 = arith.constant 80 : index
    %swap3A_117 = tpu.vector_load %arg24[%swap3A_116] {strides = array<i32>} : memref<208xf32, #tpu.memory_space<vmem>>, vector<16xf32>,
    tpu.vector_store %arg24[%swap3A_116], %broadcast_in_dim3A_2 {strides = array<i32>} : memref<208xf32, #tpu.memory_space<vmem>>, vector<16xf32>,
    %swap3A_118 = arith.constant 80 : index
    %swap3A_119 = tpu.vector_load %arg25[%swap3A_118] {strides = array<i32>} : memref<208xf32, #tpu.memory_space<vmem>>, vector<16xf32>,
    tpu.vector_store %arg25[%swap3A_118], %broadcast_in_dim3A_2 {strides = array<i32>} : memref<208xf32, #tpu.memory_space<vmem>>, vector<16xf32>,
    %swap3A_120 = arith.constant 80 : index
    %swap3A_121 = tpu.vector_load %arg26[%swap3A_120] {strides = array<i32>} : memref<208xf32, #tpu.memory_space<vmem>>, vector<16xf32>,
    tpu.vector_store %arg26[%swap3A_120], %broadcast_in_dim3A_2 {strides = array<i32>} : memref<208xf32, #tpu.memory_space<vmem>>, vector<16xf32>,
    %swap3A_122 = arith.constant 80 : index
    %swap3A_123 = tpu.vector_load %arg27[%swap3A_122] {strides = array<i32>} : memref<208xf32, #tpu.memory_space<vmem>>, vector<16xf32>,
    tpu.vector_store %arg27[%swap3A_122], %broadcast_in_dim3A_2 {strides = array<i32>} : memref<208xf32, #tpu.memory_space<vmem>>, vector<16xf32>,
    %swap3A_124 = arith.constant 96 : index
    %swap3A_125 = tpu.vector_load %arg18[%swap3A_124] {strides = array<i32>} : memref<208xf32, #tpu.memory_space<vmem>>, vector<16xf32>,
    tpu.vector_store %arg18[%swap3A_124], %broadcast_in_dim3A_2 {strides = array<i32>} : memref<208xf32, #tpu.memory_space<vmem>>, vector<16xf32>,
    %swap3A_126 = arith.constant 96 : index
    %swap3A_127 = tpu.vector_load %arg19[%swap3A_126] {strides = array<i32>} : memref<208xf32, #tpu.memory_space<vmem>>, vector<16xf32>,
    tpu.vector_store %arg19[%swap3A_126], %broadcast_in_dim3A_2 {strides = array<i32>} : memref<208xf32, #tpu.memory_space<vmem>>, vector<16xf32>,
    %swap3A_128 = arith.constant 96 : index
    %swap3A_129 = tpu.vector_load %arg20[%swap3A_128] {strides = array<i32>} : memref<208xf32, #tpu.memory_space<vmem>>, vector<16xf32>,
    tpu.vector_store %arg20[%swap3A_128], %broadcast_in_dim3A_2 {strides = array<i32>} : memref<208xf32, #tpu.memory_space<vmem>>, vector<16xf32>,
    %swap3A_130 = arith.constant 96 : index
    %swap3A_131 = tpu.vector_load %arg21[%swap3A_130] {strides = array<i32>} : memref<208xf32, #tpu.memory_space<vmem>>, vector<16xf32>,
    tpu.vector_store %arg21[%swap3A_130], %broadcast_in_dim3A_2 {strides = array<i32>} : memref<208xf32, #tpu.memory_space<vmem>>, vector<16xf32>,
    %swap3A_132 = arith.constant 96 : index
    %swap3A_133 = tpu.vector_load %arg22[%swap3A_132] {strides = array<i32>} : memref<208xf32, #tpu.memory_space<vmem>>, vector<16xf32>,
    tpu.vector_store %arg22[%swap3A_132], %broadcast_in_dim3A_2 {strides = array<i32>} : memref<208xf32, #tpu.memory_space<vmem>>, vector<16xf32>,
    %swap3A_134 = arith.constant 96 : index
    %swap3A_135 = tpu.vector_load %arg23[%swap3A_134] {strides = array<i32>} : memref<208xi32, #tpu.memory_space<vmem>>, vector<16xi32>,
    tpu.vector_store %arg23[%swap3A_134], %broadcast_in_dim3A_4 {strides = array<i32>} : memref<208xi32, #tpu.memory_space<vmem>>, vector<16xi32>,
    %swap3A_136 = arith.constant 96 : index
    %swap3A_137 = tpu.vector_load %arg24[%swap3A_136] {strides = array<i32>} : memref<208xf32, #tpu.memory_space<vmem>>, vector<16xf32>,
    tpu.vector_store %arg24[%swap3A_136], %broadcast_in_dim3A_2 {strides = array<i32>} : memref<208xf32, #tpu.memory_space<vmem>>, vector<16xf32>,
    %swap3A_138 = arith.constant 96 : index
    %swap3A_139 = tpu.vector_load %arg25[%swap3A_138] {strides = array<i32>} : memref<208xf32, #tpu.memory_space<vmem>>, vector<16xf32>,
    tpu.vector_store %arg25[%swap3A_138], %broadcast_in_dim3A_2 {strides = array<i32>} : memref<208xf32, #tpu.memory_space<vmem>>, vector<16xf32>,
    %swap3A_140 = arith.constant 96 : index
    %swap3A_141 = tpu.vector_load %arg26[%swap3A_140] {strides = array<i32>} : memref<208xf32, #tpu.memory_space<vmem>>, vector<16xf32>,
    tpu.vector_store %arg26[%swap3A_140], %broadcast_in_dim3A_2 {strides = array<i32>} : memref<208xf32, #tpu.memory_space<vmem>>, vector<16xf32>,
    %swap3A_142 = arith.constant 96 : index
    %swap3A_143 = tpu.vector_load %arg27[%swap3A_142] {strides = array<i32>} : memref<208xf32, #tpu.memory_space<vmem>>, vector<16xf32>,
    tpu.vector_store %arg27[%swap3A_142], %broadcast_in_dim3A_2 {strides = array<i32>} : memref<208xf32, #tpu.memory_space<vmem>>, vector<16xf32>,
    %swap3A_144 = arith.constant 112 : index
    %swap3A_145 = tpu.vector_load %arg18[%swap3A_144] {strides = array<i32>} : memref<208xf32, #tpu.memory_space<vmem>>, vector<16xf32>,
    tpu.vector_store %arg18[%swap3A_144], %broadcast_in_dim3A_2 {strides = array<i32>} : memref<208xf32, #tpu.memory_space<vmem>>, vector<16xf32>,
    %swap3A_146 = arith.constant 112 : index
    %swap3A_147 = tpu.vector_load %arg19[%swap3A_146] {strides = array<i32>} : memref<208xf32, #tpu.memory_space<vmem>>, vector<16xf32>,
    tpu.vector_store %arg19[%swap3A_146], %broadcast_in_dim3A_2 {strides = array<i32>} : memref<208xf32, #tpu.memory_space<vmem>>, vector<16xf32>,
    %swap3A_148 = arith.constant 112 : index
    %swap3A_149 = tpu.vector_load %arg20[%swap3A_148] {strides = array<i32>} : memref<208xf32, #tpu.memory_space<vmem>>, vector<16xf32>,
    tpu.vector_store %arg20[%swap3A_148], %broadcast_in_dim3A_2 {strides = array<i32>} : memref<208xf32, #tpu.memory_space<vmem>>, vector<16xf32>,
    %swap3A_150 = arith.constant 112 : index
    %swap3A_151 = tpu.vector_load %arg21[%swap3A_150] {strides = array<i32>} : memref<208xf32, #tpu.memory_space<vmem>>, vector<16xf32>,
    tpu.vector_store %arg21[%swap3A_150], %broadcast_in_dim3A_2 {strides = array<i32>} : memref<208xf32, #tpu.memory_space<vmem>>, vector<16xf32>,
    %swap3A_152 = arith.constant 112 : index
    %swap3A_153 = tpu.vector_load %arg22[%swap3A_152] {strides = array<i32>} : memref<208xf32, #tpu.memory_space<vmem>>, vector<16xf32>,
    tpu.vector_store %arg22[%swap3A_152], %broadcast_in_dim3A_2 {strides = array<i32>} : memref<208xf32, #tpu.memory_space<vmem>>, vector<16xf32>,
    %swap3A_154 = arith.constant 112 : index
    %swap3A_155 = tpu.vector_load %arg23[%swap3A_154] {strides = array<i32>} : memref<208xi32, #tpu.memory_space<vmem>>, vector<16xi32>,
    tpu.vector_store %arg23[%swap3A_154], %broadcast_in_dim3A_4 {strides = array<i32>} : memref<208xi32, #tpu.memory_space<vmem>>, vector<16xi32>,
    %swap3A_156 = arith.constant 112 : index
    %swap3A_157 = tpu.vector_load %arg24[%swap3A_156] {strides = array<i32>} : memref<208xf32, #tpu.memory_space<vmem>>, vector<16xf32>,
    tpu.vector_store %arg24[%swap3A_156], %broadcast_in_dim3A_2 {strides = array<i32>} : memref<208xf32, #tpu.memory_space<vmem>>, vector<16xf32>,
    %swap3A_158 = arith.constant 112 : index
    %swap3A_159 = tpu.vector_load %arg25[%swap3A_158] {strides = array<i32>} : memref<208xf32, #tpu.memory_space<vmem>>, vector<16xf32>,
    tpu.vector_store %arg25[%swap3A_158], %broadcast_in_dim3A_2 {strides = array<i32>} : memref<208xf32, #tpu.memory_space<vmem>>, vector<16xf32>,
    %swap3A_160 = arith.constant 112 : index
    %swap3A_161 = tpu.vector_load %arg26[%swap3A_160] {strides = array<i32>} : memref<208xf32, #tpu.memory_space<vmem>>, vector<16xf32>,
    tpu.vector_store %arg26[%swap3A_160], %broadcast_in_dim3A_2 {strides = array<i32>} : memref<208xf32, #tpu.memory_space<vmem>>, vector<16xf32>,
    %swap3A_162 = arith.constant 112 : index
    %swap3A_163 = tpu.vector_load %arg27[%swap3A_162] {strides = array<i32>} : memref<208xf32, #tpu.memory_space<vmem>>, vector<16xf32>,
    tpu.vector_store %arg27[%swap3A_162], %broadcast_in_dim3A_2 {strides = array<i32>} : memref<208xf32, #tpu.memory_space<vmem>>, vector<16xf32>,
    %swap3A_164 = arith.constant 128 : index
    %swap3A_165 = tpu.vector_load %arg18[%swap3A_164] {strides = array<i32>} : memref<208xf32, #tpu.memory_space<vmem>>, vector<16xf32>,
    tpu.vector_store %arg18[%swap3A_164], %broadcast_in_dim3A_2 {strides = array<i32>} : memref<208xf32, #tpu.memory_space<vmem>>, vector<16xf32>,
    %swap3A_166 = arith.constant 128 : index
    %swap3A_167 = tpu.vector_load %arg19[%swap3A_166] {strides = array<i32>} : memref<208xf32, #tpu.memory_space<vmem>>, vector<16xf32>,
    tpu.vector_store %arg19[%swap3A_166], %broadcast_in_dim3A_2 {strides = array<i32>} : memref<208xf32, #tpu.memory_space<vmem>>, vector<16xf32>,
    %swap3A_168 = arith.constant 128 : index
    %swap3A_169 = tpu.vector_load %arg20[%swap3A_168] {strides = array<i32>} : memref<208xf32, #tpu.memory_space<vmem>>, vector<16xf32>,
    tpu.vector_store %arg20[%swap3A_168], %broadcast_in_dim3A_2 {strides = array<i32>} : memref<208xf32, #tpu.memory_space<vmem>>, vector<16xf32>,
    %swap3A_170 = arith.constant 128 : index
    %swap3A_171 = tpu.vector_load %arg21[%swap3A_170] {strides = array<i32>} : memref<208xf32, #tpu.memory_space<vmem>>, vector<16xf32>,
    tpu.vector_store %arg21[%swap3A_170], %broadcast_in_dim3A_2 {strides = array<i32>} : memref<208xf32, #tpu.memory_space<vmem>>, vector<16xf32>,
    %swap3A_172 = arith.constant 128 : index
    %swap3A_173 = tpu.vector_load %arg22[%swap3A_172] {strides = array<i32>} : memref<208xf32, #tpu.memory_space<vmem>>, vector<16xf32>,
    tpu.vector_store %arg22[%swap3A_172], %broadcast_in_dim3A_2 {strides = array<i32>} : memref<208xf32, #tpu.memory_space<vmem>>, vector<16xf32>,
    %swap3A_174 = arith.constant 128 : index
    %swap3A_175 = tpu.vector_load %arg23[%swap3A_174] {strides = array<i32>} : memref<208xi32, #tpu.memory_space<vmem>>, vector<16xi32>,
    tpu.vector_store %arg23[%swap3A_174], %broadcast_in_dim3A_4 {strides = array<i32>} : memref<208xi32, #tpu.memory_space<vmem>>, vector<16xi32>,
    %swap3A_176 = arith.constant 128 : index
    %swap3A_177 = tpu.vector_load %arg24[%swap3A_176] {strides = array<i32>} : memref<208xf32, #tpu.memory_space<vmem>>, vector<16xf32>,
    tpu.vector_store %arg24[%swap3A_176], %broadcast_in_dim3A_2 {strides = array<i32>} : memref<208xf32, #tpu.memory_space<vmem>>, vector<16xf32>,
    %swap3A_178 = arith.constant 128 : index
    %swap3A_179 = tpu.vector_load %arg25[%swap3A_178] {strides = array<i32>} : memref<208xf32, #tpu.memory_space<vmem>>, vector<16xf32>,
    tpu.vector_store %arg25[%swap3A_178], %broadcast_in_dim3A_2 {strides = array<i32>} : memref<208xf32, #tpu.memory_space<vmem>>, vector<16xf32>,
    %swap3A_180 = arith.constant 128 : index
    %swap3A_181 = tpu.vector_load %arg26[%swap3A_180] {strides = array<i32>} : memref<208xf32, #tpu.memory_space<vmem>>, vector<16xf32>,
    tpu.vector_store %arg26[%swap3A_180], %broadcast_in_dim3A_2 {strides = array<i32>} : memref<208xf32, #tpu.memory_space<vmem>>, vector<16xf32>,
    %swap3A_182 = arith.constant 128 : index
    %swap3A_183 = tpu.vector_load %arg27[%swap3A_182] {strides = array<i32>} : memref<208xf32, #tpu.memory_space<vmem>>, vector<16xf32>,
    tpu.vector_store %arg27[%swap3A_182], %broadcast_in_dim3A_2 {strides = array<i32>} : memref<208xf32, #tpu.memory_space<vmem>>, vector<16xf32>,
    %swap3A_184 = arith.constant 144 : index
    %swap3A_185 = tpu.vector_load %arg18[%swap3A_184] {strides = array<i32>} : memref<208xf32, #tpu.memory_space<vmem>>, vector<16xf32>,
    tpu.vector_store %arg18[%swap3A_184], %broadcast_in_dim3A_2 {strides = array<i32>} : memref<208xf32, #tpu.memory_space<vmem>>, vector<16xf32>,
    %swap3A_186 = arith.constant 144 : index
    %swap3A_187 = tpu.vector_load %arg19[%swap3A_186] {strides = array<i32>} : memref<208xf32, #tpu.memory_space<vmem>>, vector<16xf32>,
    tpu.vector_store %arg19[%swap3A_186], %broadcast_in_dim3A_2 {strides = array<i32>} : memref<208xf32, #tpu.memory_space<vmem>>, vector<16xf32>,
    %swap3A_188 = arith.constant 144 : index
    %swap3A_189 = tpu.vector_load %arg20[%swap3A_188] {strides = array<i32>} : memref<208xf32, #tpu.memory_space<vmem>>, vector<16xf32>,
    tpu.vector_store %arg20[%swap3A_188], %broadcast_in_dim3A_2 {strides = array<i32>} : memref<208xf32, #tpu.memory_space<vmem>>, vector<16xf32>,
    %swap3A_190 = arith.constant 144 : index
    %swap3A_191 = tpu.vector_load %arg21[%swap3A_190] {strides = array<i32>} : memref<208xf32, #tpu.memory_space<vmem>>, vector<16xf32>,
    tpu.vector_store %arg21[%swap3A_190], %broadcast_in_dim3A_2 {strides = array<i32>} : memref<208xf32, #tpu.memory_space<vmem>>, vector<16xf32>,
    %swap3A_192 = arith.constant 144 : index
    %swap3A_193 = tpu.vector_load %arg22[%swap3A_192] {strides = array<i32>} : memref<208xf32, #tpu.memory_space<vmem>>, vector<16xf32>,
    tpu.vector_store %arg22[%swap3A_192], %broadcast_in_dim3A_2 {strides = array<i32>} : memref<208xf32, #tpu.memory_space<vmem>>, vector<16xf32>,
    %swap3A_194 = arith.constant 144 : index
    %swap3A_195 = tpu.vector_load %arg23[%swap3A_194] {strides = array<i32>} : memref<208xi32, #tpu.memory_space<vmem>>, vector<16xi32>,
    tpu.vector_store %arg23[%swap3A_194], %broadcast_in_dim3A_4 {strides = array<i32>} : memref<208xi32, #tpu.memory_space<vmem>>, vector<16xi32>,
    %swap3A_196 = arith.constant 144 : index
    %swap3A_197 = tpu.vector_load %arg24[%swap3A_196] {strides = array<i32>} : memref<208xf32, #tpu.memory_space<vmem>>, vector<16xf32>,
    tpu.vector_store %arg24[%swap3A_196], %broadcast_in_dim3A_2 {strides = array<i32>} : memref<208xf32, #tpu.memory_space<vmem>>, vector<16xf32>,
    %swap3A_198 = arith.constant 144 : index
    %swap3A_199 = tpu.vector_load %arg25[%swap3A_198] {strides = array<i32>} : memref<208xf32, #tpu.memory_space<vmem>>, vector<16xf32>,
    tpu.vector_store %arg25[%swap3A_198], %broadcast_in_dim3A_2 {strides = array<i32>} : memref<208xf32, #tpu.memory_space<vmem>>, vector<16xf32>,
    %swap3A_200 = arith.constant 144 : index
    %swap3A_201 = tpu.vector_load %arg26[%swap3A_200] {strides = array<i32>} : memref<208xf32, #tpu.memory_space<vmem>>, vector<16xf32>,
    tpu.vector_store %arg26[%swap3A_200], %broadcast_in_dim3A_2 {strides = array<i32>} : memref<208xf32, #tpu.memory_space<vmem>>, vector<16xf32>,
    %swap3A_202 = arith.constant 144 : index
    %swap3A_203 = tpu.vector_load %arg27[%swap3A_202] {strides = array<i32>} : memref<208xf32, #tpu.memory_space<vmem>>, vector<16xf32>,
    tpu.vector_store %arg27[%swap3A_202], %broadcast_in_dim3A_2 {strides = array<i32>} : memref<208xf32, #tpu.memory_space<vmem>>, vector<16xf32>,
    %swap3A_204 = arith.constant 160 : index
    %swap3A_205 = tpu.vector_load %arg18[%swap3A_204] {strides = array<i32>} : memref<208xf32, #tpu.memory_space<vmem>>, vector<16xf32>,
    tpu.vector_store %arg18[%swap3A_204], %broadcast_in_dim3A_2 {strides = array<i32>} : memref<208xf32, #tpu.memory_space<vmem>>, vector<16xf32>,
    %swap3A_206 = arith.constant 160 : index
    %swap3A_207 = tpu.vector_load %arg19[%swap3A_206] {strides = array<i32>} : memref<208xf32, #tpu.memory_space<vmem>>, vector<16xf32>,
    tpu.vector_store %arg19[%swap3A_206], %broadcast_in_dim3A_2 {strides = array<i32>} : memref<208xf32, #tpu.memory_space<vmem>>, vector<16xf32>,
    %swap3A_208 = arith.constant 160 : index
    %swap3A_209 = tpu.vector_load %arg20[%swap3A_208] {strides = array<i32>} : memref<208xf32, #tpu.memory_space<vmem>>, vector<16xf32>,
    tpu.vector_store %arg20[%swap3A_208], %broadcast_in_dim3A_2 {strides = array<i32>} : memref<208xf32, #tpu.memory_space<vmem>>, vector<16xf32>,
    %swap3A_210 = arith.constant 160 : index
    %swap3A_211 = tpu.vector_load %arg21[%swap3A_210] {strides = array<i32>} : memref<208xf32, #tpu.memory_space<vmem>>, vector<16xf32>,
    tpu.vector_store %arg21[%swap3A_210], %broadcast_in_dim3A_2 {strides = array<i32>} : memref<208xf32, #tpu.memory_space<vmem>>, vector<16xf32>,
    %swap3A_212 = arith.constant 160 : index
    %swap3A_213 = tpu.vector_load %arg22[%swap3A_212] {strides = array<i32>} : memref<208xf32, #tpu.memory_space<vmem>>, vector<16xf32>,
    tpu.vector_store %arg22[%swap3A_212], %broadcast_in_dim3A_2 {strides = array<i32>} : memref<208xf32, #tpu.memory_space<vmem>>, vector<16xf32>,
    %swap3A_214 = arith.constant 160 : index
    %swap3A_215 = tpu.vector_load %arg23[%swap3A_214] {strides = array<i32>} : memref<208xi32, #tpu.memory_space<vmem>>, vector<16xi32>,
    tpu.vector_store %arg23[%swap3A_214], %broadcast_in_dim3A_4 {strides = array<i32>} : memref<208xi32, #tpu.memory_space<vmem>>, vector<16xi32>,
    %swap3A_216 = arith.constant 160 : index
    %swap3A_217 = tpu.vector_load %arg24[%swap3A_216] {strides = array<i32>} : memref<208xf32, #tpu.memory_space<vmem>>, vector<16xf32>,
    tpu.vector_store %arg24[%swap3A_216], %broadcast_in_dim3A_2 {strides = array<i32>} : memref<208xf32, #tpu.memory_space<vmem>>, vector<16xf32>,
    %swap3A_218 = arith.constant 160 : index
    %swap3A_219 = tpu.vector_load %arg25[%swap3A_218] {strides = array<i32>} : memref<208xf32, #tpu.memory_space<vmem>>, vector<16xf32>,
    tpu.vector_store %arg25[%swap3A_218], %broadcast_in_dim3A_2 {strides = array<i32>} : memref<208xf32, #tpu.memory_space<vmem>>, vector<16xf32>,
    %swap3A_220 = arith.constant 160 : index
    %swap3A_221 = tpu.vector_load %arg26[%swap3A_220] {strides = array<i32>} : memref<208xf32, #tpu.memory_space<vmem>>, vector<16xf32>,
    tpu.vector_store %arg26[%swap3A_220], %broadcast_in_dim3A_2 {strides = array<i32>} : memref<208xf32, #tpu.memory_space<vmem>>, vector<16xf32>,
    %swap3A_222 = arith.constant 160 : index
    %swap3A_223 = tpu.vector_load %arg27[%swap3A_222] {strides = array<i32>} : memref<208xf32, #tpu.memory_space<vmem>>, vector<16xf32>,
    tpu.vector_store %arg27[%swap3A_222], %broadcast_in_dim3A_2 {strides = array<i32>} : memref<208xf32, #tpu.memory_space<vmem>>, vector<16xf32>,
    %swap3A_224 = arith.constant 176 : index
    %swap3A_225 = tpu.vector_load %arg18[%swap3A_224] {strides = array<i32>} : memref<208xf32, #tpu.memory_space<vmem>>, vector<16xf32>,
    tpu.vector_store %arg18[%swap3A_224], %broadcast_in_dim3A_2 {strides = array<i32>} : memref<208xf32, #tpu.memory_space<vmem>>, vector<16xf32>,
    %swap3A_226 = arith.constant 176 : index
    %swap3A_227 = tpu.vector_load %arg19[%swap3A_226] {strides = array<i32>} : memref<208xf32, #tpu.memory_space<vmem>>, vector<16xf32>,
    tpu.vector_store %arg19[%swap3A_226], %broadcast_in_dim3A_2 {strides = array<i32>} : memref<208xf32, #tpu.memory_space<vmem>>, vector<16xf32>,
    %swap3A_228 = arith.constant 176 : index
    %swap3A_229 = tpu.vector_load %arg20[%swap3A_228] {strides = array<i32>} : memref<208xf32, #tpu.memory_space<vmem>>, vector<16xf32>,
    tpu.vector_store %arg20[%swap3A_228], %broadcast_in_dim3A_2 {strides = array<i32>} : memref<208xf32, #tpu.memory_space<vmem>>, vector<16xf32>,
    %swap3A_230 = arith.constant 176 : index
    %swap3A_231 = tpu.vector_load %arg21[%swap3A_230] {strides = array<i32>} : memref<208xf32, #tpu.memory_space<vmem>>, vector<16xf32>,
    tpu.vector_store %arg21[%swap3A_230], %broadcast_in_dim3A_2 {strides = array<i32>} : memref<208xf32, #tpu.memory_space<vmem>>, vector<16xf32>,
    %swap3A_232 = arith.constant 176 : index
    %swap3A_233 = tpu.vector_load %arg22[%swap3A_232] {strides = array<i32>} : memref<208xf32, #tpu.memory_space<vmem>>, vector<16xf32>,
    tpu.vector_store %arg22[%swap3A_232], %broadcast_in_dim3A_2 {strides = array<i32>} : memref<208xf32, #tpu.memory_space<vmem>>, vector<16xf32>,
    %swap3A_234 = arith.constant 176 : index
    %swap3A_235 = tpu.vector_load %arg23[%swap3A_234] {strides = array<i32>} : memref<208xi32, #tpu.memory_space<vmem>>, vector<16xi32>,
    tpu.vector_store %arg23[%swap3A_234], %broadcast_in_dim3A_4 {strides = array<i32>} : memref<208xi32, #tpu.memory_space<vmem>>, vector<16xi32>,
    %swap3A_236 = arith.constant 176 : index
    %swap3A_237 = tpu.vector_load %arg24[%swap3A_236] {strides = array<i32>} : memref<208xf32, #tpu.memory_space<vmem>>, vector<16xf32>,
    tpu.vector_store %arg24[%swap3A_236], %broadcast_in_dim3A_2 {strides = array<i32>} : memref<208xf32, #tpu.memory_space<vmem>>, vector<16xf32>,
    %swap3A_238 = arith.constant 176 : index
    %swap3A_239 = tpu.vector_load %arg25[%swap3A_238] {strides = array<i32>} : memref<208xf32, #tpu.memory_space<vmem>>, vector<16xf32>,
    tpu.vector_store %arg25[%swap3A_238], %broadcast_in_dim3A_2 {strides = array<i32>} : memref<208xf32, #tpu.memory_space<vmem>>, vector<16xf32>,
    %swap3A_240 = arith.constant 176 : index
    %swap3A_241 = tpu.vector_load %arg26[%swap3A_240] {strides = array<i32>} : memref<208xf32, #tpu.memory_space<vmem>>, vector<16xf32>,
    tpu.vector_store %arg26[%swap3A_240], %broadcast_in_dim3A_2 {strides = array<i32>} : memref<208xf32, #tpu.memory_space<vmem>>, vector<16xf32>,
    %swap3A_242 = arith.constant 176 : index
    %swap3A_243 = tpu.vector_load %arg27[%swap3A_242] {strides = array<i32>} : memref<208xf32, #tpu.memory_space<vmem>>, vector<16xf32>,
    tpu.vector_store %arg27[%swap3A_242], %broadcast_in_dim3A_2 {strides = array<i32>} : memref<208xf32, #tpu.memory_space<vmem>>, vector<16xf32>,
    %swap3A_244 = arith.constant 192 : index
    %swap3A_245 = tpu.vector_load %arg18[%swap3A_244] {strides = array<i32>} : memref<208xf32, #tpu.memory_space<vmem>>, vector<16xf32>,
    tpu.vector_store %arg18[%swap3A_244], %broadcast_in_dim3A_2 {strides = array<i32>} : memref<208xf32, #tpu.memory_space<vmem>>, vector<16xf32>,
    %swap3A_246 = arith.constant 192 : index
    %swap3A_247 = tpu.vector_load %arg19[%swap3A_246] {strides = array<i32>} : memref<208xf32, #tpu.memory_space<vmem>>, vector<16xf32>,
    tpu.vector_store %arg19[%swap3A_246], %broadcast_in_dim3A_2 {strides = array<i32>} : memref<208xf32, #tpu.memory_space<vmem>>, vector<16xf32>,
    %swap3A_248 = arith.constant 192 : index
    %swap3A_249 = tpu.vector_load %arg20[%swap3A_248] {strides = array<i32>} : memref<208xf32, #tpu.memory_space<vmem>>, vector<16xf32>,
    tpu.vector_store %arg20[%swap3A_248], %broadcast_in_dim3A_2 {strides = array<i32>} : memref<208xf32, #tpu.memory_space<vmem>>, vector<16xf32>,
    %swap3A_250 = arith.constant 192 : index
    %swap3A_251 = tpu.vector_load %arg21[%swap3A_250] {strides = array<i32>} : memref<208xf32, #tpu.memory_space<vmem>>, vector<16xf32>,
    tpu.vector_store %arg21[%swap3A_250], %broadcast_in_dim3A_2 {strides = array<i32>} : memref<208xf32, #tpu.memory_space<vmem>>, vector<16xf32>,
    %swap3A_252 = arith.constant 192 : index
    %swap3A_253 = tpu.vector_load %arg22[%swap3A_252] {strides = array<i32>} : memref<208xf32, #tpu.memory_space<vmem>>, vector<16xf32>,
    tpu.vector_store %arg22[%swap3A_252], %broadcast_in_dim3A_2 {strides = array<i32>} : memref<208xf32, #tpu.memory_space<vmem>>, vector<16xf32>,
    %swap3A_254 = arith.constant 192 : index
    %swap3A_255 = tpu.vector_load %arg23[%swap3A_254] {strides = array<i32>} : memref<208xi32, #tpu.memory_space<vmem>>, vector<16xi32>,
    tpu.vector_store %arg23[%swap3A_254], %broadcast_in_dim3A_4 {strides = array<i32>} : memref<208xi32, #tpu.memory_space<vmem>>, vector<16xi32>,
    %swap3A_256 = arith.constant 192 : index
    %swap3A_257 = tpu.vector_load %arg24[%swap3A_256] {strides = array<i32>} : memref<208xf32, #tpu.memory_space<vmem>>, vector<16xf32>,
    tpu.vector_store %arg24[%swap3A_256], %broadcast_in_dim3A_2 {strides = array<i32>} : memref<208xf32, #tpu.memory_space<vmem>>, vector<16xf32>,
    %swap3A_258 = arith.constant 192 : index
    %swap3A_259 = tpu.vector_load %arg25[%swap3A_258] {strides = array<i32>} : memref<208xf32, #tpu.memory_space<vmem>>, vector<16xf32>,
    tpu.vector_store %arg25[%swap3A_258], %broadcast_in_dim3A_2 {strides = array<i32>} : memref<208xf32, #tpu.memory_space<vmem>>, vector<16xf32>,
    %swap3A_260 = arith.constant 192 : index
    %swap3A_261 = tpu.vector_load %arg26[%swap3A_260] {strides = array<i32>} : memref<208xf32, #tpu.memory_space<vmem>>, vector<16xf32>,
    tpu.vector_store %arg26[%swap3A_260], %broadcast_in_dim3A_2 {strides = array<i32>} : memref<208xf32, #tpu.memory_space<vmem>>, vector<16xf32>,
    %swap3A_262 = arith.constant 192 : index
    %swap3A_263 = tpu.vector_load %arg27[%swap3A_262] {strides = array<i32>} : memref<208xf32, #tpu.memory_space<vmem>>, vector<16xf32>,
    tpu.vector_store %arg27[%swap3A_262], %broadcast_in_dim3A_2 {strides = array<i32>} : memref<208xf32, #tpu.memory_space<vmem>>, vector<16xf32>,
    %iota3A = tpu.iota {dimensions = array<i32: 0>} : vector<16xi32>
    %eq3A = arith.constant 0 : i32
    %eq3A_264 = vector.broadcast %eq3A : i32 to vector<16xi32>
    %eq3A_265 = arith.cmpi eq, %iota3A, %eq3A_264 : vector<16xi32>
    %broadcast_in_dim3A_266 = arith.constant 0 : i32
    %broadcast_in_dim3A_267 = vector.broadcast %broadcast_in_dim3A_266 : i32 to vector<16xi32>
    %gather3A = tpu.vector_load_idx %arg17[%broadcast_in_dim3A_267] : memref<5120xi32, #tpu.memory_space<vmem>>[vector<16xi32>], vector<16xi32>,
    %gather3A_268 = tpu.vector_load_idx %arg13[%gather3A] : memref<5120xf32, #tpu.memory_space<vmem>>[vector<16xi32>], vector<16xf32>,
    %gather3A_269 = tpu.vector_load_idx %arg14[%gather3A] : memref<5120xf32, #tpu.memory_space<vmem>>[vector<16xi32>], vector<16xf32>,
    %gather3A_270 = tpu.vector_load_idx %arg15[%gather3A] : memref<5120xf32, #tpu.memory_space<vmem>>[vector<16xi32>], vector<16xf32>,
    %gather3A_271 = tpu.vector_load_idx %arg16[%gather3A] : memref<5120xf32, #tpu.memory_space<vmem>>[vector<16xi32>], vector<16xf32>,
    %broadcast_in_dim3A_272 = arith.constant 1 : i32
    %broadcast_in_dim3A_273 = vector.broadcast %broadcast_in_dim3A_272 : i32 to vector<16xi32>
    %gather3A_274 = tpu.vector_load_idx %arg17[%broadcast_in_dim3A_273] : memref<5120xi32, #tpu.memory_space<vmem>>[vector<16xi32>], vector<16xi32>,
    %gather3A_275 = tpu.vector_load_idx %arg13[%gather3A_274] : memref<5120xf32, #tpu.memory_space<vmem>>[vector<16xi32>], vector<16xf32>,
    %gather3A_276 = tpu.vector_load_idx %arg14[%gather3A_274] : memref<5120xf32, #tpu.memory_space<vmem>>[vector<16xi32>], vector<16xf32>,
    %gather3A_277 = tpu.vector_load_idx %arg15[%gather3A_274] : memref<5120xf32, #tpu.memory_space<vmem>>[vector<16xi32>], vector<16xf32>,
    %gather3A_278 = tpu.vector_load_idx %arg16[%gather3A_274] : memref<5120xf32, #tpu.memory_space<vmem>>[vector<16xi32>], vector<16xf32>,
    %scan3A = arith.constant 0 : i32
    %scan3A_279 = arith.constant 0 : i32
    %scan3A_280 = arith.constant 80 : i32
    %scan3A_281 = arith.addi %scan3A_279, %scan3A_280 : i32
    %scan3A_282 = arith.constant 1 : i32
    %scan3A_283:11 = scf.for %scan3A_288 = %scan3A_279 to %scan3A_281 step %scan3A_282 iter_args(%scan3A_289 = %scan3A, %scan3A_290 = %gather3A, %scan3A_291 = %gather3A_268, %scan3A_292 = %gather3A_269, %scan3A_293 = %gather3A_270, %scan3A_294 = %gather3A_271, %scan3A_295 = %gather3A_274, %scan3A_296 = %gather3A_275, %scan3A_297 = %gather3A_276, %scan3A_298 = %gather3A_277, %scan3A_299 = %gather3A_278) -> (i32, vector<16xi32>, vector<16xf32>, vector<16xf32>, vector<16xf32>, vector<16xf32>, vector<16xi32>, vector<16xf32>, vector<16xf32>, vector<16xf32>, vector<16xf32>)  : i32 {
      %lt3A = arith.constant 200 : i32
      %lt3A_300 = arith.cmpi slt, %scan3A_289, %lt3A : i32
      %convert_element_type3A = arith.extui %lt3A_300 : i1 to i32
      %cond3A = arith.constant 0 : i32
      %cond3A_301 = arith.cmpi ne, %convert_element_type3A, %cond3A : i32
      %cond3A_302:11 = scf.if %cond3A_301 -> (i32, vector<16xi32>, vector<16xf32>, vector<16xf32>, vector<16xf32>, vector<16xf32>, vector<16xi32>, vector<16xf32>, vector<16xf32>, vector<16xf32>, vector<16xf32>) {
        %mul3A_303 = arith.constant 64 : i32
        %mul3A_304 = arith.muli %scan3A_288, %mul3A_303 : i32
        %broadcast_in_dim3A_305 = vector.broadcast %mul3A_304 : i32 to vector<16xi32>
        %gather3A_306 = tpu.vector_load_idx %arg17[%broadcast_in_dim3A_305] : memref<5120xi32, #tpu.memory_space<vmem>>[vector<16xi32>], vector<16xi32>,
        %gather3A_307 = tpu.vector_load_idx %arg13[%gather3A_306] : memref<5120xf32, #tpu.memory_space<vmem>>[vector<16xi32>], vector<16xf32>,
        %gather3A_308 = tpu.vector_load_idx %arg14[%gather3A_306] : memref<5120xf32, #tpu.memory_space<vmem>>[vector<16xi32>], vector<16xf32>,
        %gather3A_309 = tpu.vector_load_idx %arg15[%gather3A_306] : memref<5120xf32, #tpu.memory_space<vmem>>[vector<16xi32>], vector<16xf32>,
        %gather3A_310 = tpu.vector_load_idx %arg16[%gather3A_306] : memref<5120xf32, #tpu.memory_space<vmem>>[vector<16xi32>], vector<16xf32>,
        %add3A_311 = arith.constant 1 : i32
        %add3A_312 = arith.addi %mul3A_304, %add3A_311 : i32
        %broadcast_in_dim3A_313 = vector.broadcast %add3A_312 : i32 to vector<16xi32>
        %gather3A_314 = tpu.vector_load_idx %arg17[%broadcast_in_dim3A_313] : memref<5120xi32, #tpu.memory_space<vmem>>[vector<16xi32>], vector<16xi32>,
        %gather3A_315 = tpu.vector_load_idx %arg13[%gather3A_314] : memref<5120xf32, #tpu.memory_space<vmem>>[vector<16xi32>], vector<16xf32>,
        %gather3A_316 = tpu.vector_load_idx %arg14[%gather3A_314] : memref<5120xf32, #tpu.memory_space<vmem>>[vector<16xi32>], vector<16xf32>,
        %gather3A_317 = tpu.vector_load_idx %arg15[%gather3A_314] : memref<5120xf32, #tpu.memory_space<vmem>>[vector<16xi32>], vector<16xf32>,
        %gather3A_318 = tpu.vector_load_idx %arg16[%gather3A_314] : memref<5120xf32, #tpu.memory_space<vmem>>[vector<16xi32>], vector<16xf32>,
        %mul3A_319 = arith.constant 32 : i32
        %mul3A_320 = arith.muli %scan3A_288, %mul3A_319 : i32
        %add3A_321 = arith.constant 1 : i32
        %add3A_322 = arith.addi %scan3A_288, %add3A_321 : i32
        %mul3A_323 = arith.constant 32 : i32
        %mul3A_324 = arith.muli %add3A_322, %mul3A_323 : i32
        %while3A = arith.subi %mul3A_324, %mul3A_320 : i32
        %while3A_325 = arith.addi %mul3A_320, %while3A : i32
        %while3A_326 = arith.constant 1 : i32
        %while3A_327 = arith.divsi %while3A, %while3A_326 : i32
        %while3A_328 = arith.muli %while3A_327, %while3A_326 : i32
        %while3A_329 = arith.addi %mul3A_320, %while3A_328 : i32
        %while3A_330 = arith.constant 1 : i32
        %while3A_331:11 = scf.for %while3A_334 = %mul3A_320 to %while3A_329 step %while3A_330 iter_args(%while3A_335 = %scan3A_289, %while3A_336 = %gather3A_306, %while3A_337 = %gather3A_307, %while3A_338 = %gather3A_308, %while3A_339 = %gather3A_309, %while3A_340 = %gather3A_310, %while3A_341 = %gather3A_314, %while3A_342 = %gather3A_315, %while3A_343 = %gather3A_316, %while3A_344 = %gather3A_317, %while3A_345 = %gather3A_318) -> (i32, vector<16xi32>, vector<16xf32>, vector<16xf32>, vector<16xf32>, vector<16xf32>, vector<16xi32>, vector<16xf32>, vector<16xf32>, vector<16xf32>, vector<16xf32>)  : i32 {
          %mul3A_346 = arith.constant 2 : i32
          %mul3A_347 = arith.muli %mul3A_346, %while3A_334 : i32
          %add3A_348 = arith.constant 2 : i32
          %add3A_349 = arith.addi %mul3A_347, %add3A_348 : i32
          %min3A_350 = arith.constant 5118 : i32
          %min3A_351 = arith.minsi %add3A_349, %min3A_350 : i32
          %broadcast_in_dim3A_352 = vector.broadcast %min3A_351 : i32 to vector<16xi32>
          %gather3A_353 = tpu.vector_load_idx %arg17[%broadcast_in_dim3A_352] : memref<5120xi32, #tpu.memory_space<vmem>>[vector<16xi32>], vector<16xi32>,
          %gather3A_354 = tpu.vector_load_idx %arg13[%gather3A_353] : memref<5120xf32, #tpu.memory_space<vmem>>[vector<16xi32>], vector<16xf32>,
          %gather3A_355 = tpu.vector_load_idx %arg14[%gather3A_353] : memref<5120xf32, #tpu.memory_space<vmem>>[vector<16xi32>], vector<16xf32>,
          %gather3A_356 = tpu.vector_load_idx %arg15[%gather3A_353] : memref<5120xf32, #tpu.memory_space<vmem>>[vector<16xi32>], vector<16xf32>,
          %gather3A_357 = tpu.vector_load_idx %arg16[%gather3A_353] : memref<5120xf32, #tpu.memory_space<vmem>>[vector<16xi32>], vector<16xf32>,
          %add3A_358 = arith.constant 1 : i32
          %add3A_359 = arith.addi %min3A_351, %add3A_358 : i32
          %broadcast_in_dim3A_360 = vector.broadcast %add3A_359 : i32 to vector<16xi32>
          %gather3A_361 = tpu.vector_load_idx %arg17[%broadcast_in_dim3A_360] : memref<5120xi32, #tpu.memory_space<vmem>>[vector<16xi32>], vector<16xi32>,
          %gather3A_362 = tpu.vector_load_idx %arg13[%gather3A_361] : memref<5120xf32, #tpu.memory_space<vmem>>[vector<16xi32>], vector<16xf32>,
          %gather3A_363 = tpu.vector_load_idx %arg14[%gather3A_361] : memref<5120xf32, #tpu.memory_space<vmem>>[vector<16xi32>], vector<16xf32>,
          %gather3A_364 = tpu.vector_load_idx %arg15[%gather3A_361] : memref<5120xf32, #tpu.memory_space<vmem>>[vector<16xi32>], vector<16xf32>,
          %gather3A_365 = tpu.vector_load_idx %arg16[%gather3A_361] : memref<5120xf32, #tpu.memory_space<vmem>>[vector<16xi32>], vector<16xf32>,
          %sub3A = arith.subf %while3A_340, %while3A_338 : vector<16xf32>
          %sub3A_366 = arith.subf %while3A_339, %while3A_337 : vector<16xf32>
          %mul3A_367 = arith.mulf %sub3A, %sub3A_366 : vector<16xf32>
          %sub3A_368 = arith.subf %while3A_345, %while3A_343 : vector<16xf32>
          %sub3A_369 = arith.subf %while3A_344, %while3A_342 : vector<16xf32>
          %mul3A_370 = arith.mulf %sub3A_368, %sub3A_369 : vector<16xf32>
          %broadcast_in_dim3A_371 = arith.constant -1.000000e+00 : f32
          %broadcast_in_dim3A_372 = vector.broadcast %broadcast_in_dim3A_371 : f32 to vector<16xf32>
          %broadcast_in_dim3A_373 = arith.constant 2.000000e+00 : f32
          %broadcast_in_dim3A_374 = vector.broadcast %broadcast_in_dim3A_373 : f32 to vector<16xf32>
          %ge3A = arith.constant 4.000000e+00 : f32
          %ge3A_375 = vector.broadcast %ge3A : f32 to vector<16xf32>
          %ge3A_376 = arith.cmpf oge, %mul3A_367, %ge3A_375 : vector<16xf32>
          %select_n3A = arith.select %ge3A_376, %broadcast_in_dim3A_372, %broadcast_in_dim3A_374 : vector<16xi1>, vector<16xf32>
          %ge3A_377 = arith.constant 4.000000e+00 : f32
          %ge3A_378 = vector.broadcast %ge3A_377 : f32 to vector<16xf32>
          %ge3A_379 = arith.cmpf oge, %mul3A_370, %ge3A_378 : vector<16xf32>
          %select_n3A_380 = arith.select %ge3A_379, %broadcast_in_dim3A_372, %broadcast_in_dim3A_374 : vector<16xi1>, vector<16xf32>
          %lt3A_381 = arith.constant 200 : i32
          %lt3A_382 = arith.cmpi slt, %while3A_335, %lt3A_381 : i32
          %add3A_383 = arith.constant 15 : i32
          %add3A_384 = arith.addi %while3A_335, %add3A_383 : i32
          %jit3A = arith.constant 16 : i32
          %div3A = arith.divsi %add3A_384, %jit3A : i32
          %sign3A = arith.constant 0 : i32
          %sign3A_385 = arith.cmpi sgt, %add3A_384, %sign3A : i32
          %sign3A_386 = arith.extui %sign3A_385 : i1 to i32
          %sign3A_387 = arith.constant 0 : i32
          %sign3A_388 = arith.cmpi slt, %add3A_384, %sign3A_387 : i32
          %sign3A_389 = arith.extui %sign3A_388 : i1 to i32
          %sign3A_390 = arith.subi %sign3A_386, %sign3A_389 : i32
          %sign3A_391 = arith.constant 0 : i32
          %sign3A_392 = arith.cmpi sgt, %jit3A, %sign3A_391 : i32
          %sign3A_393 = arith.extui %sign3A_392 : i1 to i32
          %sign3A_394 = arith.constant 0 : i32
          %sign3A_395 = arith.cmpi slt, %jit3A, %sign3A_394 : i32
          %sign3A_396 = arith.extui %sign3A_395 : i1 to i32
          %sign3A_397 = arith.subi %sign3A_393, %sign3A_396 : i32
          %ne3A = arith.cmpi ne, %sign3A_390, %sign3A_397 : i32
          %rem3A = arith.remsi %add3A_384, %jit3A : i32
          %ne3A_398 = arith.constant 0 : i32
          %ne3A_399 = arith.cmpi ne, %rem3A, %ne3A_398 : i32
          %and3A = arith.andi %ne3A, %ne3A_399 : i1
          %sub3A_400 = arith.constant 1 : i32
          %sub3A_401 = arith.subi %div3A, %sub3A_400 : i32
          %select_n3A_402 = arith.select %and3A, %sub3A_401, %div3A : i32
          %jit3A_403 = arith.constant 0 : i32
          %select_n3A_404 = arith.select %lt3A_382, %select_n3A_402, %jit3A_403 : i32
          %while3A_405 = arith.constant 0 : i32
          %while3A_406 = arith.subi %select_n3A_404, %while3A_405 : i32
          %while3A_407 = arith.addi %while3A_405, %while3A_406 : i32
          %while3A_408 = arith.constant 1 : i32
          %while3A_409 = arith.divsi %while3A_406, %while3A_408 : i32
          %while3A_410 = arith.muli %while3A_409, %while3A_408 : i32
          %while3A_411 = arith.addi %while3A_405, %while3A_410 : i32
          %while3A_412 = arith.constant 1 : i32
          %while3A_413:2 = scf.for %while3A_464 = %while3A_405 to %while3A_411 step %while3A_412 iter_args(%while3A_465 = %select_n3A, %while3A_466 = %select_n3A_380) -> (vector<16xf32>, vector<16xf32>)  : i32 {
            %mul3A_467 = arith.constant 16 : i32
            %mul3A_468 = arith.muli %while3A_464, %mul3A_467 : i32
            %get3A = arith.index_cast %mul3A_468 : i32 to index
            %get3A_469 = tpu.vector_load %arg18[%get3A] {strides = array<i32>} : memref<208xf32, #tpu.memory_space<vmem>>, vector<16xf32>,
            %get3A_470 = arith.index_cast %mul3A_468 : i32 to index
            %get3A_471 = tpu.vector_load %arg19[%get3A_470] {strides = array<i32>} : memref<208xf32, #tpu.memory_space<vmem>>, vector<16xf32>,
            %get3A_472 = arith.index_cast %mul3A_468 : i32 to index
            %get3A_473 = tpu.vector_load %arg20[%get3A_472] {strides = array<i32>} : memref<208xf32, #tpu.memory_space<vmem>>, vector<16xf32>,
            %get3A_474 = arith.index_cast %mul3A_468 : i32 to index
            %get3A_475 = tpu.vector_load %arg21[%get3A_474] {strides = array<i32>} : memref<208xf32, #tpu.memory_space<vmem>>, vector<16xf32>,
            %get3A_476 = arith.index_cast %mul3A_468 : i32 to index
            %get3A_477 = tpu.vector_load %arg22[%get3A_476] {strides = array<i32>} : memref<208xf32, #tpu.memory_space<vmem>>, vector<16xf32>,
            %max3A_478 = arith.maximumf %while3A_337, %get3A_469 : vector<16xf32>
            %min3A_479 = arith.minimumf %max3A_478, %get3A_473 : vector<16xf32>
            %max3A_480 = arith.maximumf %while3A_338, %get3A_471 : vector<16xf32>
            %min3A_481 = arith.minimumf %max3A_480, %get3A_475 : vector<16xf32>
            %max3A_482 = arith.maximumf %while3A_339, %get3A_469 : vector<16xf32>
            %min3A_483 = arith.minimumf %max3A_482, %get3A_473 : vector<16xf32>
            %max3A_484 = arith.maximumf %while3A_340, %get3A_471 : vector<16xf32>
            %min3A_485 = arith.minimumf %max3A_484, %get3A_475 : vector<16xf32>
            %sub3A_486 = arith.subf %min3A_485, %min3A_481 : vector<16xf32>
            %sub3A_487 = arith.subf %min3A_483, %min3A_479 : vector<16xf32>
            %mul3A_488 = arith.mulf %sub3A_486, %sub3A_487 : vector<16xf32>
            %add3A_489 = arith.addf %mul3A_367, %get3A_477 : vector<16xf32>
            %sub3A_490 = arith.subf %add3A_489, %mul3A_488 : vector<16xf32>
            %max3A_491 = arith.maximumf %while3A_342, %get3A_469 : vector<16xf32>
            %min3A_492 = arith.minimumf %max3A_491, %get3A_473 : vector<16xf32>
            %max3A_493 = arith.maximumf %while3A_343, %get3A_471 : vector<16xf32>
            %min3A_494 = arith.minimumf %max3A_493, %get3A_475 : vector<16xf32>
            %max3A_495 = arith.maximumf %while3A_344, %get3A_469 : vector<16xf32>
            %min3A_496 = arith.minimumf %max3A_495, %get3A_473 : vector<16xf32>
            %max3A_497 = arith.maximumf %while3A_345, %get3A_471 : vector<16xf32>
            %min3A_498 = arith.minimumf %max3A_497, %get3A_475 : vector<16xf32>
            %sub3A_499 = arith.subf %min3A_498, %min3A_494 : vector<16xf32>
            %sub3A_500 = arith.subf %min3A_496, %min3A_492 : vector<16xf32>
            %mul3A_501 = arith.mulf %sub3A_499, %sub3A_500 : vector<16xf32>
            %add3A_502 = arith.addf %mul3A_370, %get3A_477 : vector<16xf32>
            %sub3A_503 = arith.subf %add3A_502, %mul3A_501 : vector<16xf32>
            %div3A_504 = arith.divf %mul3A_488, %sub3A_490 : vector<16xf32>
            %max3A_505 = arith.maximumf %while3A_465, %div3A_504 : vector<16xf32>
            %div3A_506 = arith.divf %mul3A_501, %sub3A_503 : vector<16xf32>
            %max3A_507 = arith.maximumf %while3A_466, %div3A_506 : vector<16xf32>
            scf.yield %max3A_505, %max3A_507 : vector<16xf32>, vector<16xf32>
          }
          %while3A_414 = arith.constant 1 : i32
          %while3A_415:2 = scf.for %while3A_464 = %while3A_411 to %while3A_407 step %while3A_414 iter_args(%while3A_465 = %while3A_413#0, %while3A_466 = %while3A_413#1) -> (vector<16xf32>, vector<16xf32>)  : i32 {
            %mul3A_467 = arith.constant 16 : i32
            %mul3A_468 = arith.muli %while3A_464, %mul3A_467 : i32
            %get3A = arith.index_cast %mul3A_468 : i32 to index
            %get3A_469 = tpu.vector_load %arg18[%get3A] {strides = array<i32>} : memref<208xf32, #tpu.memory_space<vmem>>, vector<16xf32>,
            %get3A_470 = arith.index_cast %mul3A_468 : i32 to index
            %get3A_471 = tpu.vector_load %arg19[%get3A_470] {strides = array<i32>} : memref<208xf32, #tpu.memory_space<vmem>>, vector<16xf32>,
            %get3A_472 = arith.index_cast %mul3A_468 : i32 to index
            %get3A_473 = tpu.vector_load %arg20[%get3A_472] {strides = array<i32>} : memref<208xf32, #tpu.memory_space<vmem>>, vector<16xf32>,
            %get3A_474 = arith.index_cast %mul3A_468 : i32 to index
            %get3A_475 = tpu.vector_load %arg21[%get3A_474] {strides = array<i32>} : memref<208xf32, #tpu.memory_space<vmem>>, vector<16xf32>,
            %get3A_476 = arith.index_cast %mul3A_468 : i32 to index
            %get3A_477 = tpu.vector_load %arg22[%get3A_476] {strides = array<i32>} : memref<208xf32, #tpu.memory_space<vmem>>, vector<16xf32>,
            %max3A_478 = arith.maximumf %while3A_337, %get3A_469 : vector<16xf32>
            %min3A_479 = arith.minimumf %max3A_478, %get3A_473 : vector<16xf32>
            %max3A_480 = arith.maximumf %while3A_338, %get3A_471 : vector<16xf32>
            %min3A_481 = arith.minimumf %max3A_480, %get3A_475 : vector<16xf32>
            %max3A_482 = arith.maximumf %while3A_339, %get3A_469 : vector<16xf32>
            %min3A_483 = arith.minimumf %max3A_482, %get3A_473 : vector<16xf32>
            %max3A_484 = arith.maximumf %while3A_340, %get3A_471 : vector<16xf32>
            %min3A_485 = arith.minimumf %max3A_484, %get3A_475 : vector<16xf32>
            %sub3A_486 = arith.subf %min3A_485, %min3A_481 : vector<16xf32>
            %sub3A_487 = arith.subf %min3A_483, %min3A_479 : vector<16xf32>
            %mul3A_488 = arith.mulf %sub3A_486, %sub3A_487 : vector<16xf32>
            %add3A_489 = arith.addf %mul3A_367, %get3A_477 : vector<16xf32>
            %sub3A_490 = arith.subf %add3A_489, %mul3A_488 : vector<16xf32>
            %max3A_491 = arith.maximumf %while3A_342, %get3A_469 : vector<16xf32>
            %min3A_492 = arith.minimumf %max3A_491, %get3A_473 : vector<16xf32>
            %max3A_493 = arith.maximumf %while3A_343, %get3A_471 : vector<16xf32>
            %min3A_494 = arith.minimumf %max3A_493, %get3A_475 : vector<16xf32>
            %max3A_495 = arith.maximumf %while3A_344, %get3A_469 : vector<16xf32>
            %min3A_496 = arith.minimumf %max3A_495, %get3A_473 : vector<16xf32>
            %max3A_497 = arith.maximumf %while3A_345, %get3A_471 : vector<16xf32>
            %min3A_498 = arith.minimumf %max3A_497, %get3A_475 : vector<16xf32>
            %sub3A_499 = arith.subf %min3A_498, %min3A_494 : vector<16xf32>
            %sub3A_500 = arith.subf %min3A_496, %min3A_492 : vector<16xf32>
            %mul3A_501 = arith.mulf %sub3A_499, %sub3A_500 : vector<16xf32>
            %add3A_502 = arith.addf %mul3A_370, %get3A_477 : vector<16xf32>
            %sub3A_503 = arith.subf %add3A_502, %mul3A_501 : vector<16xf32>
            %div3A_504 = arith.divf %mul3A_488, %sub3A_490 : vector<16xf32>
            %max3A_505 = arith.maximumf %while3A_465, %div3A_504 : vector<16xf32>
            %div3A_506 = arith.divf %mul3A_501, %sub3A_503 : vector<16xf32>
            %max3A_507 = arith.maximumf %while3A_466, %div3A_506 : vector<16xf32>
            scf.yield %max3A_505, %max3A_507 : vector<16xf32>, vector<16xf32>
          }
          %lt3A_416 = arith.constant 200 : i32
          %lt3A_417 = arith.cmpi slt, %while3A_335, %lt3A_416 : i32
          %reduce_max3A = arith.constant true
          %reduce_max3A_418 = vector.broadcast %reduce_max3A : i1 to vector<16xi1>
          %reduce_max3A_419 = tpu.scan <max>, %while3A_415#0 masked %reduce_max3A_418 : vector<16xf32>, vector<16xi1> -> vector<16xf32>
          %reduce_max3A_420 = vector.extract %reduce_max3A_419[15] : f32 from vector<16xf32>
          %le3A = arith.constant 5.000000e-01 : f32
          %le3A_421 = arith.cmpf ole, %reduce_max3A_420, %le3A : f32
          %and3A_422 = arith.andi %lt3A_417, %le3A_421 : i1
          %convert_element_type3A_423 = arith.extui %and3A_422 : i1 to i32
          %max3A = arith.maximumf %while3A_342, %while3A_337 : vector<16xf32>
          %min3A_424 = arith.minimumf %max3A, %while3A_339 : vector<16xf32>
          %max3A_425 = arith.maximumf %while3A_343, %while3A_338 : vector<16xf32>
          %min3A_426 = arith.minimumf %max3A_425, %while3A_340 : vector<16xf32>
          %max3A_427 = arith.maximumf %while3A_344, %while3A_337 : vector<16xf32>
          %min3A_428 = arith.minimumf %max3A_427, %while3A_339 : vector<16xf32>
          %max3A_429 = arith.maximumf %while3A_345, %while3A_338 : vector<16xf32>
          %min3A_430 = arith.minimumf %max3A_429, %while3A_340 : vector<16xf32>
          %sub3A_431 = arith.subf %min3A_430, %min3A_426 : vector<16xf32>
          %sub3A_432 = arith.subf %min3A_428, %min3A_424 : vector<16xf32>
          %mul3A_433 = arith.mulf %sub3A_431, %sub3A_432 : vector<16xf32>
          %add3A_434 = arith.addf %mul3A_370, %mul3A_367 : vector<16xf32>
          %sub3A_435 = arith.subf %add3A_434, %mul3A_433 : vector<16xf32>
          %not3A = arith.constant true
          %not3A_436 = arith.xori %and3A_422, %not3A : i1
          %div3A_437 = arith.divf %mul3A_433, %sub3A_435 : vector<16xf32>
          %reduce_max3A_438 = arith.constant true
          %reduce_max3A_439 = vector.broadcast %reduce_max3A_438 : i1 to vector<16xi1>
          %reduce_max3A_440 = tpu.scan <max>, %div3A_437 masked %reduce_max3A_439 : vector<16xf32>, vector<16xi1> -> vector<16xf32>
          %reduce_max3A_441 = vector.extract %reduce_max3A_440[15] : f32 from vector<16xf32>
          %le3A_442 = arith.constant 5.000000e-01 : f32
          %le3A_443 = arith.cmpf ole, %reduce_max3A_441, %le3A_442 : f32
          %or3A = arith.ori %not3A_436, %le3A_443 : i1
          %add3A_444 = arith.addi %while3A_335, %convert_element_type3A_423 : i32
          %lt3A_445 = arith.constant 200 : i32
          %lt3A_446 = arith.cmpi slt, %add3A_444, %lt3A_445 : i32
          %reduce_max3A_447 = arith.constant true
          %reduce_max3A_448 = vector.broadcast %reduce_max3A_447 : i1 to vector<16xi1>
          %reduce_max3A_449 = tpu.scan <max>, %while3A_415#1 masked %reduce_max3A_448 : vector<16xf32>, vector<16xi1> -> vector<16xf32>
          %reduce_max3A_450 = vector.extract %reduce_max3A_449[15] : f32 from vector<16xf32>
          %le3A_451 = arith.constant 5.000000e-01 : f32
          %le3A_452 = arith.cmpf ole, %reduce_max3A_450, %le3A_451 : f32
          %and3A_453 = arith.andi %le3A_452, %or3A : i1
          %and3A_454 = arith.andi %lt3A_446, %and3A_453 : i1
          %convert_element_type3A_455 = arith.extui %and3A_422 : i1 to i32
          %cond3A_456 = arith.constant 0 : i32
          %cond3A_457 = arith.cmpi ne, %convert_element_type3A_455, %cond3A_456 : i32
          scf.if %cond3A_457 {
            %broadcast_in_dim3A_464 = vector.broadcast %while3A_335 : i32 to vector<16xi32>
            tpu.vector_store_idx %arg18[%broadcast_in_dim3A_464], %while3A_337 masked %eq3A_265 : memref<208xf32, #tpu.memory_space<vmem>>[vector<16xi32>], vector<16xf32>, vector<16xi1>
            tpu.vector_store_idx %arg19[%broadcast_in_dim3A_464], %while3A_338 masked %eq3A_265 : memref<208xf32, #tpu.memory_space<vmem>>[vector<16xi32>], vector<16xf32>, vector<16xi1>
            tpu.vector_store_idx %arg20[%broadcast_in_dim3A_464], %while3A_339 masked %eq3A_265 : memref<208xf32, #tpu.memory_space<vmem>>[vector<16xi32>], vector<16xf32>, vector<16xi1>
            tpu.vector_store_idx %arg21[%broadcast_in_dim3A_464], %while3A_340 masked %eq3A_265 : memref<208xf32, #tpu.memory_space<vmem>>[vector<16xi32>], vector<16xf32>, vector<16xi1>
            tpu.vector_store_idx %arg22[%broadcast_in_dim3A_464], %mul3A_367 masked %eq3A_265 : memref<208xf32, #tpu.memory_space<vmem>>[vector<16xi32>], vector<16xf32>, vector<16xi1>
            tpu.vector_store_idx %arg23[%broadcast_in_dim3A_464], %while3A_336 masked %eq3A_265 : memref<208xi32, #tpu.memory_space<vmem>>[vector<16xi32>], vector<16xi32>, vector<16xi1>
            tpu.vector_store_idx %arg24[%broadcast_in_dim3A_464], %while3A_337 masked %eq3A_265 : memref<208xf32, #tpu.memory_space<vmem>>[vector<16xi32>], vector<16xf32>, vector<16xi1>
            tpu.vector_store_idx %arg25[%broadcast_in_dim3A_464], %while3A_338 masked %eq3A_265 : memref<208xf32, #tpu.memory_space<vmem>>[vector<16xi32>], vector<16xf32>, vector<16xi1>
            tpu.vector_store_idx %arg26[%broadcast_in_dim3A_464], %while3A_339 masked %eq3A_265 : memref<208xf32, #tpu.memory_space<vmem>>[vector<16xi32>], vector<16xf32>, vector<16xi1>
            tpu.vector_store_idx %arg27[%broadcast_in_dim3A_464], %while3A_340 masked %eq3A_265 : memref<208xf32, #tpu.memory_space<vmem>>[vector<16xi32>], vector<16xf32>, vector<16xi1>
          } else {
          }
          %convert_element_type3A_458 = arith.extui %and3A_454 : i1 to i32
          %cond3A_459 = arith.constant 0 : i32
          %cond3A_460 = arith.cmpi ne, %convert_element_type3A_458, %cond3A_459 : i32
          scf.if %cond3A_460 {
            %add3A_464 = arith.addi %while3A_335, %convert_element_type3A_423 : i32
            %broadcast_in_dim3A_465 = vector.broadcast %add3A_464 : i32 to vector<16xi32>
            tpu.vector_store_idx %arg18[%broadcast_in_dim3A_465], %while3A_342 masked %eq3A_265 : memref<208xf32, #tpu.memory_space<vmem>>[vector<16xi32>], vector<16xf32>, vector<16xi1>
            tpu.vector_store_idx %arg19[%broadcast_in_dim3A_465], %while3A_343 masked %eq3A_265 : memref<208xf32, #tpu.memory_space<vmem>>[vector<16xi32>], vector<16xf32>, vector<16xi1>
            tpu.vector_store_idx %arg20[%broadcast_in_dim3A_465], %while3A_344 masked %eq3A_265 : memref<208xf32, #tpu.memory_space<vmem>>[vector<16xi32>], vector<16xf32>, vector<16xi1>
            tpu.vector_store_idx %arg21[%broadcast_in_dim3A_465], %while3A_345 masked %eq3A_265 : memref<208xf32, #tpu.memory_space<vmem>>[vector<16xi32>], vector<16xf32>, vector<16xi1>
            tpu.vector_store_idx %arg22[%broadcast_in_dim3A_465], %mul3A_370 masked %eq3A_265 : memref<208xf32, #tpu.memory_space<vmem>>[vector<16xi32>], vector<16xf32>, vector<16xi1>
            tpu.vector_store_idx %arg23[%broadcast_in_dim3A_465], %while3A_341 masked %eq3A_265 : memref<208xi32, #tpu.memory_space<vmem>>[vector<16xi32>], vector<16xi32>, vector<16xi1>
            tpu.vector_store_idx %arg24[%broadcast_in_dim3A_465], %while3A_342 masked %eq3A_265 : memref<208xf32, #tpu.memory_space<vmem>>[vector<16xi32>], vector<16xf32>, vector<16xi1>
            tpu.vector_store_idx %arg25[%broadcast_in_dim3A_465], %while3A_343 masked %eq3A_265 : memref<208xf32, #tpu.memory_space<vmem>>[vector<16xi32>], vector<16xf32>, vector<16xi1>
            tpu.vector_store_idx %arg26[%broadcast_in_dim3A_465], %while3A_344 masked %eq3A_265 : memref<208xf32, #tpu.memory_space<vmem>>[vector<16xi32>], vector<16xf32>, vector<16xi1>
            tpu.vector_store_idx %arg27[%broadcast_in_dim3A_465], %while3A_345 masked %eq3A_265 : memref<208xf32, #tpu.memory_space<vmem>>[vector<16xi32>], vector<16xf32>, vector<16xi1>
          } else {
          }
          %add3A_461 = arith.addi %while3A_335, %convert_element_type3A_423 : i32
          %convert_element_type3A_462 = arith.extui %and3A_454 : i1 to i32
          %add3A_463 = arith.addi %add3A_461, %convert_element_type3A_462 : i32
          scf.yield %add3A_463, %gather3A_353, %gather3A_354, %gather3A_355, %gather3A_356, %gather3A_357, %gather3A_361, %gather3A_362, %gather3A_363, %gather3A_364, %gather3A_365 : i32, vector<16xi32>, vector<16xf32>, vector<16xf32>, vector<16xf32>, vector<16xf32>, vector<16xi32>, vector<16xf32>, vector<16xf32>, vector<16xf32>, vector<16xf32>
        }
        %while3A_332 = arith.constant 1 : i32
        %while3A_333:11 = scf.for %while3A_334 = %while3A_329 to %while3A_325 step %while3A_332 iter_args(%while3A_335 = %while3A_331#0, %while3A_336 = %while3A_331#1, %while3A_337 = %while3A_331#2, %while3A_338 = %while3A_331#3, %while3A_339 = %while3A_331#4, %while3A_340 = %while3A_331#5, %while3A_341 = %while3A_331#6, %while3A_342 = %while3A_331#7, %while3A_343 = %while3A_331#8, %while3A_344 = %while3A_331#9, %while3A_345 = %while3A_331#10) -> (i32, vector<16xi32>, vector<16xf32>, vector<16xf32>, vector<16xf32>, vector<16xf32>, vector<16xi32>, vector<16xf32>, vector<16xf32>, vector<16xf32>, vector<16xf32>)  : i32 {
          %mul3A_346 = arith.constant 2 : i32
          %mul3A_347 = arith.muli %mul3A_346, %while3A_334 : i32
          %add3A_348 = arith.constant 2 : i32
          %add3A_349 = arith.addi %mul3A_347, %add3A_348 : i32
          %min3A_350 = arith.constant 5118 : i32
          %min3A_351 = arith.minsi %add3A_349, %min3A_350 : i32
          %broadcast_in_dim3A_352 = vector.broadcast %min3A_351 : i32 to vector<16xi32>
          %gather3A_353 = tpu.vector_load_idx %arg17[%broadcast_in_dim3A_352] : memref<5120xi32, #tpu.memory_space<vmem>>[vector<16xi32>], vector<16xi32>,
          %gather3A_354 = tpu.vector_load_idx %arg13[%gather3A_353] : memref<5120xf32, #tpu.memory_space<vmem>>[vector<16xi32>], vector<16xf32>,
          %gather3A_355 = tpu.vector_load_idx %arg14[%gather3A_353] : memref<5120xf32, #tpu.memory_space<vmem>>[vector<16xi32>], vector<16xf32>,
          %gather3A_356 = tpu.vector_load_idx %arg15[%gather3A_353] : memref<5120xf32, #tpu.memory_space<vmem>>[vector<16xi32>], vector<16xf32>,
          %gather3A_357 = tpu.vector_load_idx %arg16[%gather3A_353] : memref<5120xf32, #tpu.memory_space<vmem>>[vector<16xi32>], vector<16xf32>,
          %add3A_358 = arith.constant 1 : i32
          %add3A_359 = arith.addi %min3A_351, %add3A_358 : i32
          %broadcast_in_dim3A_360 = vector.broadcast %add3A_359 : i32 to vector<16xi32>
          %gather3A_361 = tpu.vector_load_idx %arg17[%broadcast_in_dim3A_360] : memref<5120xi32, #tpu.memory_space<vmem>>[vector<16xi32>], vector<16xi32>,
          %gather3A_362 = tpu.vector_load_idx %arg13[%gather3A_361] : memref<5120xf32, #tpu.memory_space<vmem>>[vector<16xi32>], vector<16xf32>,
          %gather3A_363 = tpu.vector_load_idx %arg14[%gather3A_361] : memref<5120xf32, #tpu.memory_space<vmem>>[vector<16xi32>], vector<16xf32>,
          %gather3A_364 = tpu.vector_load_idx %arg15[%gather3A_361] : memref<5120xf32, #tpu.memory_space<vmem>>[vector<16xi32>], vector<16xf32>,
          %gather3A_365 = tpu.vector_load_idx %arg16[%gather3A_361] : memref<5120xf32, #tpu.memory_space<vmem>>[vector<16xi32>], vector<16xf32>,
          %sub3A = arith.subf %while3A_340, %while3A_338 : vector<16xf32>
          %sub3A_366 = arith.subf %while3A_339, %while3A_337 : vector<16xf32>
          %mul3A_367 = arith.mulf %sub3A, %sub3A_366 : vector<16xf32>
          %sub3A_368 = arith.subf %while3A_345, %while3A_343 : vector<16xf32>
          %sub3A_369 = arith.subf %while3A_344, %while3A_342 : vector<16xf32>
          %mul3A_370 = arith.mulf %sub3A_368, %sub3A_369 : vector<16xf32>
          %broadcast_in_dim3A_371 = arith.constant -1.000000e+00 : f32
          %broadcast_in_dim3A_372 = vector.broadcast %broadcast_in_dim3A_371 : f32 to vector<16xf32>
          %broadcast_in_dim3A_373 = arith.constant 2.000000e+00 : f32
          %broadcast_in_dim3A_374 = vector.broadcast %broadcast_in_dim3A_373 : f32 to vector<16xf32>
          %ge3A = arith.constant 4.000000e+00 : f32
          %ge3A_375 = vector.broadcast %ge3A : f32 to vector<16xf32>
          %ge3A_376 = arith.cmpf oge, %mul3A_367, %ge3A_375 : vector<16xf32>
          %select_n3A = arith.select %ge3A_376, %broadcast_in_dim3A_372, %broadcast_in_dim3A_374 : vector<16xi1>, vector<16xf32>
          %ge3A_377 = arith.constant 4.000000e+00 : f32
          %ge3A_378 = vector.broadcast %ge3A_377 : f32 to vector<16xf32>
          %ge3A_379 = arith.cmpf oge, %mul3A_370, %ge3A_378 : vector<16xf32>
          %select_n3A_380 = arith.select %ge3A_379, %broadcast_in_dim3A_372, %broadcast_in_dim3A_374 : vector<16xi1>, vector<16xf32>
          %lt3A_381 = arith.constant 200 : i32
          %lt3A_382 = arith.cmpi slt, %while3A_335, %lt3A_381 : i32
          %add3A_383 = arith.constant 15 : i32
          %add3A_384 = arith.addi %while3A_335, %add3A_383 : i32
          %jit3A = arith.constant 16 : i32
          %div3A = arith.divsi %add3A_384, %jit3A : i32
          %sign3A = arith.constant 0 : i32
          %sign3A_385 = arith.cmpi sgt, %add3A_384, %sign3A : i32
          %sign3A_386 = arith.extui %sign3A_385 : i1 to i32
          %sign3A_387 = arith.constant 0 : i32
          %sign3A_388 = arith.cmpi slt, %add3A_384, %sign3A_387 : i32
          %sign3A_389 = arith.extui %sign3A_388 : i1 to i32
          %sign3A_390 = arith.subi %sign3A_386, %sign3A_389 : i32
          %sign3A_391 = arith.constant 0 : i32
          %sign3A_392 = arith.cmpi sgt, %jit3A, %sign3A_391 : i32
          %sign3A_393 = arith.extui %sign3A_392 : i1 to i32
          %sign3A_394 = arith.constant 0 : i32
          %sign3A_395 = arith.cmpi slt, %jit3A, %sign3A_394 : i32
          %sign3A_396 = arith.extui %sign3A_395 : i1 to i32
          %sign3A_397 = arith.subi %sign3A_393, %sign3A_396 : i32
          %ne3A = arith.cmpi ne, %sign3A_390, %sign3A_397 : i32
          %rem3A = arith.remsi %add3A_384, %jit3A : i32
          %ne3A_398 = arith.constant 0 : i32
          %ne3A_399 = arith.cmpi ne, %rem3A, %ne3A_398 : i32
          %and3A = arith.andi %ne3A, %ne3A_399 : i1
          %sub3A_400 = arith.constant 1 : i32
          %sub3A_401 = arith.subi %div3A, %sub3A_400 : i32
          %select_n3A_402 = arith.select %and3A, %sub3A_401, %div3A : i32
          %jit3A_403 = arith.constant 0 : i32
          %select_n3A_404 = arith.select %lt3A_382, %select_n3A_402, %jit3A_403 : i32
          %while3A_405 = arith.constant 0 : i32
          %while3A_406 = arith.subi %select_n3A_404, %while3A_405 : i32
          %while3A_407 = arith.addi %while3A_405, %while3A_406 : i32
          %while3A_408 = arith.constant 1 : i32
          %while3A_409 = arith.divsi %while3A_406, %while3A_408 : i32
          %while3A_410 = arith.muli %while3A_409, %while3A_408 : i32
          %while3A_411 = arith.addi %while3A_405, %while3A_410 : i32
          %while3A_412 = arith.constant 1 : i32
          %while3A_413:2 = scf.for %while3A_464 = %while3A_405 to %while3A_411 step %while3A_412 iter_args(%while3A_465 = %select_n3A, %while3A_466 = %select_n3A_380) -> (vector<16xf32>, vector<16xf32>)  : i32 {
            %mul3A_467 = arith.constant 16 : i32
            %mul3A_468 = arith.muli %while3A_464, %mul3A_467 : i32
            %get3A = arith.index_cast %mul3A_468 : i32 to index
            %get3A_469 = tpu.vector_load %arg18[%get3A] {strides = array<i32>} : memref<208xf32, #tpu.memory_space<vmem>>, vector<16xf32>,
            %get3A_470 = arith.index_cast %mul3A_468 : i32 to index
            %get3A_471 = tpu.vector_load %arg19[%get3A_470] {strides = array<i32>} : memref<208xf32, #tpu.memory_space<vmem>>, vector<16xf32>,
            %get3A_472 = arith.index_cast %mul3A_468 : i32 to index
            %get3A_473 = tpu.vector_load %arg20[%get3A_472] {strides = array<i32>} : memref<208xf32, #tpu.memory_space<vmem>>, vector<16xf32>,
            %get3A_474 = arith.index_cast %mul3A_468 : i32 to index
            %get3A_475 = tpu.vector_load %arg21[%get3A_474] {strides = array<i32>} : memref<208xf32, #tpu.memory_space<vmem>>, vector<16xf32>,
            %get3A_476 = arith.index_cast %mul3A_468 : i32 to index
            %get3A_477 = tpu.vector_load %arg22[%get3A_476] {strides = array<i32>} : memref<208xf32, #tpu.memory_space<vmem>>, vector<16xf32>,
            %max3A_478 = arith.maximumf %while3A_337, %get3A_469 : vector<16xf32>
            %min3A_479 = arith.minimumf %max3A_478, %get3A_473 : vector<16xf32>
            %max3A_480 = arith.maximumf %while3A_338, %get3A_471 : vector<16xf32>
            %min3A_481 = arith.minimumf %max3A_480, %get3A_475 : vector<16xf32>
            %max3A_482 = arith.maximumf %while3A_339, %get3A_469 : vector<16xf32>
            %min3A_483 = arith.minimumf %max3A_482, %get3A_473 : vector<16xf32>
            %max3A_484 = arith.maximumf %while3A_340, %get3A_471 : vector<16xf32>
            %min3A_485 = arith.minimumf %max3A_484, %get3A_475 : vector<16xf32>
            %sub3A_486 = arith.subf %min3A_485, %min3A_481 : vector<16xf32>
            %sub3A_487 = arith.subf %min3A_483, %min3A_479 : vector<16xf32>
            %mul3A_488 = arith.mulf %sub3A_486, %sub3A_487 : vector<16xf32>
            %add3A_489 = arith.addf %mul3A_367, %get3A_477 : vector<16xf32>
            %sub3A_490 = arith.subf %add3A_489, %mul3A_488 : vector<16xf32>
            %max3A_491 = arith.maximumf %while3A_342, %get3A_469 : vector<16xf32>
            %min3A_492 = arith.minimumf %max3A_491, %get3A_473 : vector<16xf32>
            %max3A_493 = arith.maximumf %while3A_343, %get3A_471 : vector<16xf32>
            %min3A_494 = arith.minimumf %max3A_493, %get3A_475 : vector<16xf32>
            %max3A_495 = arith.maximumf %while3A_344, %get3A_469 : vector<16xf32>
            %min3A_496 = arith.minimumf %max3A_495, %get3A_473 : vector<16xf32>
            %max3A_497 = arith.maximumf %while3A_345, %get3A_471 : vector<16xf32>
            %min3A_498 = arith.minimumf %max3A_497, %get3A_475 : vector<16xf32>
            %sub3A_499 = arith.subf %min3A_498, %min3A_494 : vector<16xf32>
            %sub3A_500 = arith.subf %min3A_496, %min3A_492 : vector<16xf32>
            %mul3A_501 = arith.mulf %sub3A_499, %sub3A_500 : vector<16xf32>
            %add3A_502 = arith.addf %mul3A_370, %get3A_477 : vector<16xf32>
            %sub3A_503 = arith.subf %add3A_502, %mul3A_501 : vector<16xf32>
            %div3A_504 = arith.divf %mul3A_488, %sub3A_490 : vector<16xf32>
            %max3A_505 = arith.maximumf %while3A_465, %div3A_504 : vector<16xf32>
            %div3A_506 = arith.divf %mul3A_501, %sub3A_503 : vector<16xf32>
            %max3A_507 = arith.maximumf %while3A_466, %div3A_506 : vector<16xf32>
            scf.yield %max3A_505, %max3A_507 : vector<16xf32>, vector<16xf32>
          }
          %while3A_414 = arith.constant 1 : i32
          %while3A_415:2 = scf.for %while3A_464 = %while3A_411 to %while3A_407 step %while3A_414 iter_args(%while3A_465 = %while3A_413#0, %while3A_466 = %while3A_413#1) -> (vector<16xf32>, vector<16xf32>)  : i32 {
            %mul3A_467 = arith.constant 16 : i32
            %mul3A_468 = arith.muli %while3A_464, %mul3A_467 : i32
            %get3A = arith.index_cast %mul3A_468 : i32 to index
            %get3A_469 = tpu.vector_load %arg18[%get3A] {strides = array<i32>} : memref<208xf32, #tpu.memory_space<vmem>>, vector<16xf32>,
            %get3A_470 = arith.index_cast %mul3A_468 : i32 to index
            %get3A_471 = tpu.vector_load %arg19[%get3A_470] {strides = array<i32>} : memref<208xf32, #tpu.memory_space<vmem>>, vector<16xf32>,
            %get3A_472 = arith.index_cast %mul3A_468 : i32 to index
            %get3A_473 = tpu.vector_load %arg20[%get3A_472] {strides = array<i32>} : memref<208xf32, #tpu.memory_space<vmem>>, vector<16xf32>,
            %get3A_474 = arith.index_cast %mul3A_468 : i32 to index
            %get3A_475 = tpu.vector_load %arg21[%get3A_474] {strides = array<i32>} : memref<208xf32, #tpu.memory_space<vmem>>, vector<16xf32>,
            %get3A_476 = arith.index_cast %mul3A_468 : i32 to index
            %get3A_477 = tpu.vector_load %arg22[%get3A_476] {strides = array<i32>} : memref<208xf32, #tpu.memory_space<vmem>>, vector<16xf32>,
            %max3A_478 = arith.maximumf %while3A_337, %get3A_469 : vector<16xf32>
            %min3A_479 = arith.minimumf %max3A_478, %get3A_473 : vector<16xf32>
            %max3A_480 = arith.maximumf %while3A_338, %get3A_471 : vector<16xf32>
            %min3A_481 = arith.minimumf %max3A_480, %get3A_475 : vector<16xf32>
            %max3A_482 = arith.maximumf %while3A_339, %get3A_469 : vector<16xf32>
            %min3A_483 = arith.minimumf %max3A_482, %get3A_473 : vector<16xf32>
            %max3A_484 = arith.maximumf %while3A_340, %get3A_471 : vector<16xf32>
            %min3A_485 = arith.minimumf %max3A_484, %get3A_475 : vector<16xf32>
            %sub3A_486 = arith.subf %min3A_485, %min3A_481 : vector<16xf32>
            %sub3A_487 = arith.subf %min3A_483, %min3A_479 : vector<16xf32>
            %mul3A_488 = arith.mulf %sub3A_486, %sub3A_487 : vector<16xf32>
            %add3A_489 = arith.addf %mul3A_367, %get3A_477 : vector<16xf32>
            %sub3A_490 = arith.subf %add3A_489, %mul3A_488 : vector<16xf32>
            %max3A_491 = arith.maximumf %while3A_342, %get3A_469 : vector<16xf32>
            %min3A_492 = arith.minimumf %max3A_491, %get3A_473 : vector<16xf32>
            %max3A_493 = arith.maximumf %while3A_343, %get3A_471 : vector<16xf32>
            %min3A_494 = arith.minimumf %max3A_493, %get3A_475 : vector<16xf32>
            %max3A_495 = arith.maximumf %while3A_344, %get3A_469 : vector<16xf32>
            %min3A_496 = arith.minimumf %max3A_495, %get3A_473 : vector<16xf32>
            %max3A_497 = arith.maximumf %while3A_345, %get3A_471 : vector<16xf32>
            %min3A_498 = arith.minimumf %max3A_497, %get3A_475 : vector<16xf32>
            %sub3A_499 = arith.subf %min3A_498, %min3A_494 : vector<16xf32>
            %sub3A_500 = arith.subf %min3A_496, %min3A_492 : vector<16xf32>
            %mul3A_501 = arith.mulf %sub3A_499, %sub3A_500 : vector<16xf32>
            %add3A_502 = arith.addf %mul3A_370, %get3A_477 : vector<16xf32>
            %sub3A_503 = arith.subf %add3A_502, %mul3A_501 : vector<16xf32>
            %div3A_504 = arith.divf %mul3A_488, %sub3A_490 : vector<16xf32>
            %max3A_505 = arith.maximumf %while3A_465, %div3A_504 : vector<16xf32>
            %div3A_506 = arith.divf %mul3A_501, %sub3A_503 : vector<16xf32>
            %max3A_507 = arith.maximumf %while3A_466, %div3A_506 : vector<16xf32>
            scf.yield %max3A_505, %max3A_507 : vector<16xf32>, vector<16xf32>
          }
          %lt3A_416 = arith.constant 200 : i32
          %lt3A_417 = arith.cmpi slt, %while3A_335, %lt3A_416 : i32
          %reduce_max3A = arith.constant true
          %reduce_max3A_418 = vector.broadcast %reduce_max3A : i1 to vector<16xi1>
          %reduce_max3A_419 = tpu.scan <max>, %while3A_415#0 masked %reduce_max3A_418 : vector<16xf32>, vector<16xi1> -> vector<16xf32>
          %reduce_max3A_420 = vector.extract %reduce_max3A_419[15] : f32 from vector<16xf32>
          %le3A = arith.constant 5.000000e-01 : f32
          %le3A_421 = arith.cmpf ole, %reduce_max3A_420, %le3A : f32
          %and3A_422 = arith.andi %lt3A_417, %le3A_421 : i1
          %convert_element_type3A_423 = arith.extui %and3A_422 : i1 to i32
          %max3A = arith.maximumf %while3A_342, %while3A_337 : vector<16xf32>
          %min3A_424 = arith.minimumf %max3A, %while3A_339 : vector<16xf32>
          %max3A_425 = arith.maximumf %while3A_343, %while3A_338 : vector<16xf32>
          %min3A_426 = arith.minimumf %max3A_425, %while3A_340 : vector<16xf32>
          %max3A_427 = arith.maximumf %while3A_344, %while3A_337 : vector<16xf32>
          %min3A_428 = arith.minimumf %max3A_427, %while3A_339 : vector<16xf32>
          %max3A_429 = arith.maximumf %while3A_345, %while3A_338 : vector<16xf32>
          %min3A_430 = arith.minimumf %max3A_429, %while3A_340 : vector<16xf32>
          %sub3A_431 = arith.subf %min3A_430, %min3A_426 : vector<16xf32>
          %sub3A_432 = arith.subf %min3A_428, %min3A_424 : vector<16xf32>
          %mul3A_433 = arith.mulf %sub3A_431, %sub3A_432 : vector<16xf32>
          %add3A_434 = arith.addf %mul3A_370, %mul3A_367 : vector<16xf32>
          %sub3A_435 = arith.subf %add3A_434, %mul3A_433 : vector<16xf32>
          %not3A = arith.constant true
          %not3A_436 = arith.xori %and3A_422, %not3A : i1
          %div3A_437 = arith.divf %mul3A_433, %sub3A_435 : vector<16xf32>
          %reduce_max3A_438 = arith.constant true
          %reduce_max3A_439 = vector.broadcast %reduce_max3A_438 : i1 to vector<16xi1>
          %reduce_max3A_440 = tpu.scan <max>, %div3A_437 masked %reduce_max3A_439 : vector<16xf32>, vector<16xi1> -> vector<16xf32>
          %reduce_max3A_441 = vector.extract %reduce_max3A_440[15] : f32 from vector<16xf32>
          %le3A_442 = arith.constant 5.000000e-01 : f32
          %le3A_443 = arith.cmpf ole, %reduce_max3A_441, %le3A_442 : f32
          %or3A = arith.ori %not3A_436, %le3A_443 : i1
          %add3A_444 = arith.addi %while3A_335, %convert_element_type3A_423 : i32
          %lt3A_445 = arith.constant 200 : i32
          %lt3A_446 = arith.cmpi slt, %add3A_444, %lt3A_445 : i32
          %reduce_max3A_447 = arith.constant true
          %reduce_max3A_448 = vector.broadcast %reduce_max3A_447 : i1 to vector<16xi1>
          %reduce_max3A_449 = tpu.scan <max>, %while3A_415#1 masked %reduce_max3A_448 : vector<16xf32>, vector<16xi1> -> vector<16xf32>
          %reduce_max3A_450 = vector.extract %reduce_max3A_449[15] : f32 from vector<16xf32>
          %le3A_451 = arith.constant 5.000000e-01 : f32
          %le3A_452 = arith.cmpf ole, %reduce_max3A_450, %le3A_451 : f32
          %and3A_453 = arith.andi %le3A_452, %or3A : i1
          %and3A_454 = arith.andi %lt3A_446, %and3A_453 : i1
          %convert_element_type3A_455 = arith.extui %and3A_422 : i1 to i32
          %cond3A_456 = arith.constant 0 : i32
          %cond3A_457 = arith.cmpi ne, %convert_element_type3A_455, %cond3A_456 : i32
          scf.if %cond3A_457 {
            %broadcast_in_dim3A_464 = vector.broadcast %while3A_335 : i32 to vector<16xi32>
            tpu.vector_store_idx %arg18[%broadcast_in_dim3A_464], %while3A_337 masked %eq3A_265 : memref<208xf32, #tpu.memory_space<vmem>>[vector<16xi32>], vector<16xf32>, vector<16xi1>
            tpu.vector_store_idx %arg19[%broadcast_in_dim3A_464], %while3A_338 masked %eq3A_265 : memref<208xf32, #tpu.memory_space<vmem>>[vector<16xi32>], vector<16xf32>, vector<16xi1>
            tpu.vector_store_idx %arg20[%broadcast_in_dim3A_464], %while3A_339 masked %eq3A_265 : memref<208xf32, #tpu.memory_space<vmem>>[vector<16xi32>], vector<16xf32>, vector<16xi1>
            tpu.vector_store_idx %arg21[%broadcast_in_dim3A_464], %while3A_340 masked %eq3A_265 : memref<208xf32, #tpu.memory_space<vmem>>[vector<16xi32>], vector<16xf32>, vector<16xi1>
            tpu.vector_store_idx %arg22[%broadcast_in_dim3A_464], %mul3A_367 masked %eq3A_265 : memref<208xf32, #tpu.memory_space<vmem>>[vector<16xi32>], vector<16xf32>, vector<16xi1>
            tpu.vector_store_idx %arg23[%broadcast_in_dim3A_464], %while3A_336 masked %eq3A_265 : memref<208xi32, #tpu.memory_space<vmem>>[vector<16xi32>], vector<16xi32>, vector<16xi1>
            tpu.vector_store_idx %arg24[%broadcast_in_dim3A_464], %while3A_337 masked %eq3A_265 : memref<208xf32, #tpu.memory_space<vmem>>[vector<16xi32>], vector<16xf32>, vector<16xi1>
            tpu.vector_store_idx %arg25[%broadcast_in_dim3A_464], %while3A_338 masked %eq3A_265 : memref<208xf32, #tpu.memory_space<vmem>>[vector<16xi32>], vector<16xf32>, vector<16xi1>
            tpu.vector_store_idx %arg26[%broadcast_in_dim3A_464], %while3A_339 masked %eq3A_265 : memref<208xf32, #tpu.memory_space<vmem>>[vector<16xi32>], vector<16xf32>, vector<16xi1>
            tpu.vector_store_idx %arg27[%broadcast_in_dim3A_464], %while3A_340 masked %eq3A_265 : memref<208xf32, #tpu.memory_space<vmem>>[vector<16xi32>], vector<16xf32>, vector<16xi1>
          } else {
          }
          %convert_element_type3A_458 = arith.extui %and3A_454 : i1 to i32
          %cond3A_459 = arith.constant 0 : i32
          %cond3A_460 = arith.cmpi ne, %convert_element_type3A_458, %cond3A_459 : i32
          scf.if %cond3A_460 {
            %add3A_464 = arith.addi %while3A_335, %convert_element_type3A_423 : i32
            %broadcast_in_dim3A_465 = vector.broadcast %add3A_464 : i32 to vector<16xi32>
            tpu.vector_store_idx %arg18[%broadcast_in_dim3A_465], %while3A_342 masked %eq3A_265 : memref<208xf32, #tpu.memory_space<vmem>>[vector<16xi32>], vector<16xf32>, vector<16xi1>
            tpu.vector_store_idx %arg19[%broadcast_in_dim3A_465], %while3A_343 masked %eq3A_265 : memref<208xf32, #tpu.memory_space<vmem>>[vector<16xi32>], vector<16xf32>, vector<16xi1>
            tpu.vector_store_idx %arg20[%broadcast_in_dim3A_465], %while3A_344 masked %eq3A_265 : memref<208xf32, #tpu.memory_space<vmem>>[vector<16xi32>], vector<16xf32>, vector<16xi1>
            tpu.vector_store_idx %arg21[%broadcast_in_dim3A_465], %while3A_345 masked %eq3A_265 : memref<208xf32, #tpu.memory_space<vmem>>[vector<16xi32>], vector<16xf32>, vector<16xi1>
            tpu.vector_store_idx %arg22[%broadcast_in_dim3A_465], %mul3A_370 masked %eq3A_265 : memref<208xf32, #tpu.memory_space<vmem>>[vector<16xi32>], vector<16xf32>, vector<16xi1>
            tpu.vector_store_idx %arg23[%broadcast_in_dim3A_465], %while3A_341 masked %eq3A_265 : memref<208xi32, #tpu.memory_space<vmem>>[vector<16xi32>], vector<16xi32>, vector<16xi1>
            tpu.vector_store_idx %arg24[%broadcast_in_dim3A_465], %while3A_342 masked %eq3A_265 : memref<208xf32, #tpu.memory_space<vmem>>[vector<16xi32>], vector<16xf32>, vector<16xi1>
            tpu.vector_store_idx %arg25[%broadcast_in_dim3A_465], %while3A_343 masked %eq3A_265 : memref<208xf32, #tpu.memory_space<vmem>>[vector<16xi32>], vector<16xf32>, vector<16xi1>
            tpu.vector_store_idx %arg26[%broadcast_in_dim3A_465], %while3A_344 masked %eq3A_265 : memref<208xf32, #tpu.memory_space<vmem>>[vector<16xi32>], vector<16xf32>, vector<16xi1>
            tpu.vector_store_idx %arg27[%broadcast_in_dim3A_465], %while3A_345 masked %eq3A_265 : memref<208xf32, #tpu.memory_space<vmem>>[vector<16xi32>], vector<16xf32>, vector<16xi1>
          } else {
          }
          %add3A_461 = arith.addi %while3A_335, %convert_element_type3A_423 : i32
          %convert_element_type3A_462 = arith.extui %and3A_454 : i1 to i32
          %add3A_463 = arith.addi %add3A_461, %convert_element_type3A_462 : i32
          scf.yield %add3A_463, %gather3A_353, %gather3A_354, %gather3A_355, %gather3A_356, %gather3A_357, %gather3A_361, %gather3A_362, %gather3A_363, %gather3A_364, %gather3A_365 : i32, vector<16xi32>, vector<16xf32>, vector<16xf32>, vector<16xf32>, vector<16xf32>, vector<16xi32>, vector<16xf32>, vector<16xf32>, vector<16xf32>, vector<16xf32>
        }
        scf.yield %while3A_333#0, %while3A_333#1, %while3A_333#2, %while3A_333#3, %while3A_333#4, %while3A_333#5, %while3A_333#6, %while3A_333#7, %while3A_333#8, %while3A_333#9, %while3A_333#10 : i32, vector<16xi32>, vector<16xf32>, vector<16xf32>, vector<16xf32>, vector<16xf32>, vector<16xi32>, vector<16xf32>, vector<16xf32>, vector<16xf32>, vector<16xf32>
      } else {
        scf.yield %scan3A_289, %scan3A_290, %scan3A_291, %scan3A_292, %scan3A_293, %scan3A_294, %scan3A_295, %scan3A_296, %scan3A_297, %scan3A_298, %scan3A_299 : i32, vector<16xi32>, vector<16xf32>, vector<16xf32>, vector<16xf32>, vector<16xf32>, vector<16xi32>, vector<16xf32>, vector<16xf32>, vector<16xf32>, vector<16xf32>
      }
      scf.yield %cond3A_302#0, %cond3A_302#1, %cond3A_302#2, %cond3A_302#3, %cond3A_302#4, %cond3A_302#5, %cond3A_302#6, %cond3A_302#7, %cond3A_302#8, %cond3A_302#9, %cond3A_302#10 : i32, vector<16xi32>, vector<16xf32>, vector<16xf32>, vector<16xf32>, vector<16xf32>, vector<16xi32>, vector<16xf32>, vector<16xf32>, vector<16xf32>, vector<16xf32>
    }
    %scan3A_284 = arith.constant 80 : i32
    %broadcast_in_dim3A_285 = vector.broadcast %scan3A_283#0 : i32 to vector<16xi32>
    %swap3A_286 = arith.constant 0 : index
    %swap3A_287 = tpu.vector_load %arg28[%swap3A_286] {strides = array<i32>} : memref<16xi32, #tpu.memory_space<vmem>>, vector<16xi32>,
    tpu.vector_store %arg28[%swap3A_286], %broadcast_in_dim3A_285 {strides = array<i32>} : memref<16xi32, #tpu.memory_space<vmem>>, vector<16xi32>,
    "tpu.region"() ({
      %run_scoped3A = tpu.sem_alloc : memref<!tpu.dma_semaphore, #tpu.memory_space<semaphore_mem>>
      %dma_start3A = arith.constant 0 : i32
      %dma_start3A_288 = tpu.memref_slice %arg7[%add3A, %dma_start3A] : memref<32x208xi32, #tpu.memory_space<hbm>> -> memref<1x208xi32, #tpu.memory_space<hbm>>
      %dma_start3A_289 = tpu.memref_squeeze %dma_start3A_288 : memref<1x208xi32, #tpu.memory_space<hbm>> -> memref<208xi32, #tpu.memory_space<hbm>>
      %dma_start3A_290 = arith.constant 0 : i32
      %dma_start3A_291 = tpu.memref_slice %arg7[%add3A, %dma_start3A_290] : memref<32x208xi32, #tpu.memory_space<hbm>> -> memref<1x208xi32, #tpu.memory_space<hbm>>
      %dma_start3A_292 = tpu.memref_squeeze %dma_start3A_291 : memref<1x208xi32, #tpu.memory_space<hbm>> -> memref<208xi32, #tpu.memory_space<hbm>>
      tpu.enqueue_dma source(%arg23 : memref<208xi32, #tpu.memory_space<vmem>>) target(%dma_start3A_292 : memref<208xi32, #tpu.memory_space<hbm>>) target_semaphore(%run_scoped3A : memref<!tpu.dma_semaphore, #tpu.memory_space<semaphore_mem>>)
      %dma_wait3A = arith.constant 0 : i32
      %dma_wait3A_293 = tpu.memref_slice %arg7[%add3A, %dma_wait3A] : memref<32x208xi32, #tpu.memory_space<hbm>> -> memref<1x208xi32, #tpu.memory_space<hbm>>
      %dma_wait3A_294 = tpu.memref_squeeze %dma_wait3A_293 : memref<1x208xi32, #tpu.memory_space<hbm>> -> memref<208xi32, #tpu.memory_space<hbm>>
      %dma_wait3A_295 = arith.constant 0 : i32
      %dma_wait3A_296 = tpu.memref_slice %arg7[%add3A, %dma_wait3A_295] : memref<32x208xi32, #tpu.memory_space<hbm>> -> memref<1x208xi32, #tpu.memory_space<hbm>>
      %dma_wait3A_297 = tpu.memref_squeeze %dma_wait3A_296 : memref<1x208xi32, #tpu.memory_space<hbm>> -> memref<208xi32, #tpu.memory_space<hbm>>
      tpu.wait_dma2 semaphore(%run_scoped3A : memref<!tpu.dma_semaphore, #tpu.memory_space<semaphore_mem>>) src(%arg23 : memref<208xi32, #tpu.memory_space<vmem>>) dst(%dma_wait3A_297 : memref<208xi32, #tpu.memory_space<hbm>>)
      tpu.yield
    }) : () -> ()
    "tpu.region"() ({
      %run_scoped3A = tpu.sem_alloc : memref<!tpu.dma_semaphore, #tpu.memory_space<semaphore_mem>>
      %dma_start3A = arith.constant 0 : i32
      %dma_start3A_288 = tpu.memref_slice %arg8[%add3A, %dma_start3A] : memref<32x208xf32, #tpu.memory_space<hbm>> -> memref<1x208xf32, #tpu.memory_space<hbm>>
      %dma_start3A_289 = tpu.memref_squeeze %dma_start3A_288 : memref<1x208xf32, #tpu.memory_space<hbm>> -> memref<208xf32, #tpu.memory_space<hbm>>
      %dma_start3A_290 = arith.constant 0 : i32
      %dma_start3A_291 = tpu.memref_slice %arg8[%add3A, %dma_start3A_290] : memref<32x208xf32, #tpu.memory_space<hbm>> -> memref<1x208xf32, #tpu.memory_space<hbm>>
      %dma_start3A_292 = tpu.memref_squeeze %dma_start3A_291 : memref<1x208xf32, #tpu.memory_space<hbm>> -> memref<208xf32, #tpu.memory_space<hbm>>
      tpu.enqueue_dma source(%arg24 : memref<208xf32, #tpu.memory_space<vmem>>) target(%dma_start3A_292 : memref<208xf32, #tpu.memory_space<hbm>>) target_semaphore(%run_scoped3A : memref<!tpu.dma_semaphore, #tpu.memory_space<semaphore_mem>>)
      %dma_wait3A = arith.constant 0 : i32
      %dma_wait3A_293 = tpu.memref_slice %arg8[%add3A, %dma_wait3A] : memref<32x208xf32, #tpu.memory_space<hbm>> -> memref<1x208xf32, #tpu.memory_space<hbm>>
      %dma_wait3A_294 = tpu.memref_squeeze %dma_wait3A_293 : memref<1x208xf32, #tpu.memory_space<hbm>> -> memref<208xf32, #tpu.memory_space<hbm>>
      %dma_wait3A_295 = arith.constant 0 : i32
      %dma_wait3A_296 = tpu.memref_slice %arg8[%add3A, %dma_wait3A_295] : memref<32x208xf32, #tpu.memory_space<hbm>> -> memref<1x208xf32, #tpu.memory_space<hbm>>
      %dma_wait3A_297 = tpu.memref_squeeze %dma_wait3A_296 : memref<1x208xf32, #tpu.memory_space<hbm>> -> memref<208xf32, #tpu.memory_space<hbm>>
      tpu.wait_dma2 semaphore(%run_scoped3A : memref<!tpu.dma_semaphore, #tpu.memory_space<semaphore_mem>>) src(%arg24 : memref<208xf32, #tpu.memory_space<vmem>>) dst(%dma_wait3A_297 : memref<208xf32, #tpu.memory_space<hbm>>)
      tpu.yield
    }) : () -> ()
    "tpu.region"() ({
      %run_scoped3A = tpu.sem_alloc : memref<!tpu.dma_semaphore, #tpu.memory_space<semaphore_mem>>
      %dma_start3A = arith.constant 0 : i32
      %dma_start3A_288 = tpu.memref_slice %arg9[%add3A, %dma_start3A] : memref<32x208xf32, #tpu.memory_space<hbm>> -> memref<1x208xf32, #tpu.memory_space<hbm>>
      %dma_start3A_289 = tpu.memref_squeeze %dma_start3A_288 : memref<1x208xf32, #tpu.memory_space<hbm>> -> memref<208xf32, #tpu.memory_space<hbm>>
      %dma_start3A_290 = arith.constant 0 : i32
      %dma_start3A_291 = tpu.memref_slice %arg9[%add3A, %dma_start3A_290] : memref<32x208xf32, #tpu.memory_space<hbm>> -> memref<1x208xf32, #tpu.memory_space<hbm>>
      %dma_start3A_292 = tpu.memref_squeeze %dma_start3A_291 : memref<1x208xf32, #tpu.memory_space<hbm>> -> memref<208xf32, #tpu.memory_space<hbm>>
      tpu.enqueue_dma source(%arg25 : memref<208xf32, #tpu.memory_space<vmem>>) target(%dma_start3A_292 : memref<208xf32, #tpu.memory_space<hbm>>) target_semaphore(%run_scoped3A : memref<!tpu.dma_semaphore, #tpu.memory_space<semaphore_mem>>)
      %dma_wait3A = arith.constant 0 : i32
      %dma_wait3A_293 = tpu.memref_slice %arg9[%add3A, %dma_wait3A] : memref<32x208xf32, #tpu.memory_space<hbm>> -> memref<1x208xf32, #tpu.memory_space<hbm>>
      %dma_wait3A_294 = tpu.memref_squeeze %dma_wait3A_293 : memref<1x208xf32, #tpu.memory_space<hbm>> -> memref<208xf32, #tpu.memory_space<hbm>>
      %dma_wait3A_295 = arith.constant 0 : i32
      %dma_wait3A_296 = tpu.memref_slice %arg9[%add3A, %dma_wait3A_295] : memref<32x208xf32, #tpu.memory_space<hbm>> -> memref<1x208xf32, #tpu.memory_space<hbm>>
      %dma_wait3A_297 = tpu.memref_squeeze %dma_wait3A_296 : memref<1x208xf32, #tpu.memory_space<hbm>> -> memref<208xf32, #tpu.memory_space<hbm>>
      tpu.wait_dma2 semaphore(%run_scoped3A : memref<!tpu.dma_semaphore, #tpu.memory_space<semaphore_mem>>) src(%arg25 : memref<208xf32, #tpu.memory_space<vmem>>) dst(%dma_wait3A_297 : memref<208xf32, #tpu.memory_space<hbm>>)
      tpu.yield
    }) : () -> ()
    "tpu.region"() ({
      %run_scoped3A = tpu.sem_alloc : memref<!tpu.dma_semaphore, #tpu.memory_space<semaphore_mem>>
      %dma_start3A = arith.constant 0 : i32
      %dma_start3A_288 = tpu.memref_slice %arg10[%add3A, %dma_start3A] : memref<32x208xf32, #tpu.memory_space<hbm>> -> memref<1x208xf32, #tpu.memory_space<hbm>>
      %dma_start3A_289 = tpu.memref_squeeze %dma_start3A_288 : memref<1x208xf32, #tpu.memory_space<hbm>> -> memref<208xf32, #tpu.memory_space<hbm>>
      %dma_start3A_290 = arith.constant 0 : i32
      %dma_start3A_291 = tpu.memref_slice %arg10[%add3A, %dma_start3A_290] : memref<32x208xf32, #tpu.memory_space<hbm>> -> memref<1x208xf32, #tpu.memory_space<hbm>>
      %dma_start3A_292 = tpu.memref_squeeze %dma_start3A_291 : memref<1x208xf32, #tpu.memory_space<hbm>> -> memref<208xf32, #tpu.memory_space<hbm>>
      tpu.enqueue_dma source(%arg26 : memref<208xf32, #tpu.memory_space<vmem>>) target(%dma_start3A_292 : memref<208xf32, #tpu.memory_space<hbm>>) target_semaphore(%run_scoped3A : memref<!tpu.dma_semaphore, #tpu.memory_space<semaphore_mem>>)
      %dma_wait3A = arith.constant 0 : i32
      %dma_wait3A_293 = tpu.memref_slice %arg10[%add3A, %dma_wait3A] : memref<32x208xf32, #tpu.memory_space<hbm>> -> memref<1x208xf32, #tpu.memory_space<hbm>>
      %dma_wait3A_294 = tpu.memref_squeeze %dma_wait3A_293 : memref<1x208xf32, #tpu.memory_space<hbm>> -> memref<208xf32, #tpu.memory_space<hbm>>
      %dma_wait3A_295 = arith.constant 0 : i32
      %dma_wait3A_296 = tpu.memref_slice %arg10[%add3A, %dma_wait3A_295] : memref<32x208xf32, #tpu.memory_space<hbm>> -> memref<1x208xf32, #tpu.memory_space<hbm>>
      %dma_wait3A_297 = tpu.memref_squeeze %dma_wait3A_296 : memref<1x208xf32, #tpu.memory_space<hbm>> -> memref<208xf32, #tpu.memory_space<hbm>>
      tpu.wait_dma2 semaphore(%run_scoped3A : memref<!tpu.dma_semaphore, #tpu.memory_space<semaphore_mem>>) src(%arg26 : memref<208xf32, #tpu.memory_space<vmem>>) dst(%dma_wait3A_297 : memref<208xf32, #tpu.memory_space<hbm>>)
      tpu.yield
    }) : () -> ()
    "tpu.region"() ({
      %run_scoped3A = tpu.sem_alloc : memref<!tpu.dma_semaphore, #tpu.memory_space<semaphore_mem>>
      %dma_start3A = arith.constant 0 : i32
      %dma_start3A_288 = tpu.memref_slice %arg11[%add3A, %dma_start3A] : memref<32x208xf32, #tpu.memory_space<hbm>> -> memref<1x208xf32, #tpu.memory_space<hbm>>
      %dma_start3A_289 = tpu.memref_squeeze %dma_start3A_288 : memref<1x208xf32, #tpu.memory_space<hbm>> -> memref<208xf32, #tpu.memory_space<hbm>>
      %dma_start3A_290 = arith.constant 0 : i32
      %dma_start3A_291 = tpu.memref_slice %arg11[%add3A, %dma_start3A_290] : memref<32x208xf32, #tpu.memory_space<hbm>> -> memref<1x208xf32, #tpu.memory_space<hbm>>
      %dma_start3A_292 = tpu.memref_squeeze %dma_start3A_291 : memref<1x208xf32, #tpu.memory_space<hbm>> -> memref<208xf32, #tpu.memory_space<hbm>>
      tpu.enqueue_dma source(%arg27 : memref<208xf32, #tpu.memory_space<vmem>>) target(%dma_start3A_292 : memref<208xf32, #tpu.memory_space<hbm>>) target_semaphore(%run_scoped3A : memref<!tpu.dma_semaphore, #tpu.memory_space<semaphore_mem>>)
      %dma_wait3A = arith.constant 0 : i32
      %dma_wait3A_293 = tpu.memref_slice %arg11[%add3A, %dma_wait3A] : memref<32x208xf32, #tpu.memory_space<hbm>> -> memref<1x208xf32, #tpu.memory_space<hbm>>
      %dma_wait3A_294 = tpu.memref_squeeze %dma_wait3A_293 : memref<1x208xf32, #tpu.memory_space<hbm>> -> memref<208xf32, #tpu.memory_space<hbm>>
      %dma_wait3A_295 = arith.constant 0 : i32
      %dma_wait3A_296 = tpu.memref_slice %arg11[%add3A, %dma_wait3A_295] : memref<32x208xf32, #tpu.memory_space<hbm>> -> memref<1x208xf32, #tpu.memory_space<hbm>>
      %dma_wait3A_297 = tpu.memref_squeeze %dma_wait3A_296 : memref<1x208xf32, #tpu.memory_space<hbm>> -> memref<208xf32, #tpu.memory_space<hbm>>
      tpu.wait_dma2 semaphore(%run_scoped3A : memref<!tpu.dma_semaphore, #tpu.memory_space<semaphore_mem>>) src(%arg27 : memref<208xf32, #tpu.memory_space<vmem>>) dst(%dma_wait3A_297 : memref<208xf32, #tpu.memory_space<hbm>>)
      tpu.yield
    }) : () -> ()
    "tpu.region"() ({
      %run_scoped3A = tpu.sem_alloc : memref<!tpu.dma_semaphore, #tpu.memory_space<semaphore_mem>>
      %dma_start3A = arith.constant 0 : i32
      %dma_start3A_288 = tpu.memref_slice %arg12[%add3A, %dma_start3A] : memref<32x16xi32, #tpu.memory_space<hbm>> -> memref<1x16xi32, #tpu.memory_space<hbm>>
      %dma_start3A_289 = tpu.memref_squeeze %dma_start3A_288 : memref<1x16xi32, #tpu.memory_space<hbm>> -> memref<16xi32, #tpu.memory_space<hbm>>
      %dma_start3A_290 = arith.constant 0 : i32
      %dma_start3A_291 = tpu.memref_slice %arg12[%add3A, %dma_start3A_290] : memref<32x16xi32, #tpu.memory_space<hbm>> -> memref<1x16xi32, #tpu.memory_space<hbm>>
      %dma_start3A_292 = tpu.memref_squeeze %dma_start3A_291 : memref<1x16xi32, #tpu.memory_space<hbm>> -> memref<16xi32, #tpu.memory_space<hbm>>
      tpu.enqueue_dma source(%arg28 : memref<16xi32, #tpu.memory_space<vmem>>) target(%dma_start3A_292 : memref<16xi32, #tpu.memory_space<hbm>>) target_semaphore(%run_scoped3A : memref<!tpu.dma_semaphore, #tpu.memory_space<semaphore_mem>>)
      %dma_wait3A = arith.constant 0 : i32
      %dma_wait3A_293 = tpu.memref_slice %arg12[%add3A, %dma_wait3A] : memref<32x16xi32, #tpu.memory_space<hbm>> -> memref<1x16xi32, #tpu.memory_space<hbm>>
      %dma_wait3A_294 = tpu.memref_squeeze %dma_wait3A_293 : memref<1x16xi32, #tpu.memory_space<hbm>> -> memref<16xi32, #tpu.memory_space<hbm>>
      %dma_wait3A_295 = arith.constant 0 : i32
      %dma_wait3A_296 = tpu.memref_slice %arg12[%add3A, %dma_wait3A_295] : memref<32x16xi32, #tpu.memory_space<hbm>> -> memref<1x16xi32, #tpu.memory_space<hbm>>
      %dma_wait3A_297 = tpu.memref_squeeze %dma_wait3A_296 : memref<1x16xi32, #tpu.memory_space<hbm>> -> memref<16xi32, #tpu.memory_space<hbm>>
      tpu.wait_dma2 semaphore(%run_scoped3A : memref<!tpu.dma_semaphore, #tpu.memory_space<semaphore_mem>>) src(%arg28 : memref<16xi32, #tpu.memory_space<vmem>>) dst(%dma_wait3A_297 : memref<16xi32, #tpu.memory_space<hbm>>)
      tpu.yield
    }) : () -> ()
    return
  }
}

</mosaic_0001>

<sc_bundles>
// kernel: kernel.3.cloned.1.call-start
scs
__scs_entry_jumppad:
0x0: {  	(pc) =	sbr.rel $0x88, $3  }
0x1: {  	(tag) =	ssettag $0x0;
	lr =	simm.s32 $0x1  }
0x2: {  	[smem:$0x3F9F] =	sst lr;
	_ =	strace $0xD0000000  }
0x3: {  	_ = 	snop  }
0x4: {  	_ = 	snop  }
0x5: {  	_ = 	snop  }
0x6: {  	_ = 	snop  }
0x7: {  	_ = 	snop  }
__scs_overlays_trampoline_lowered:
0x8: {  	[smem:$0x3FAE] =	sst s0  }
0x9: {  	[smem:$0x3FAF] =	sst s1  }
0xa: {  	[smem:$0x3FB0] =	sst s2  }
0xb: {  	[smem:$0x3FB1] =	sst s3  }
0xc: {  	[smem:$0x3FB2] =	sst s4  }
0xd: {  	[smem:$0x3FB3] =	sst s5  }
0xe: {  	[smem:$0x3FB4] =	sst s6  }
0xf: {  	[smem:$0x3FB5] =	sst s7  }
0x10: {  	[smem:$0x3FB6] =	sst s8  }
0x11: {  	[smem:$0x3FB7] =	sst s9;
	s0 =	simm.s32 @!p0 $0x0  }
0x12: {  	s1 =	sld [smem:$0x3F9D];
	s0 =	simm.s32 @p0 $0x1  }
0x13: {  	[smem:$0x3FB8] =	sst s0;
	s0 =	simm.s32 @!p1 $0x0  }
0x14: {  	s2 =	sld [smem:$0x3F9C];
	s0 =	simm.s32 @p1 $0x1  }
0x15: {  	[smem:$0x3FB9] =	sst s0;
	s0 =	simm.s32 @!p2 $0x0  }
0x16: {  	s3 =	sld [smem:$0x3FDB];
	s0 =	simm.s32 @p2 $0x1  }
0x17: {  	s4 =	simm.s32 $0x1BF5;
	[smem:$0x3FBB] =	sst s0  }
0x18: {  	s0 =	sld [smem:$0x3F9E];
	_ =	swait.ge [sflag:s4], $0x0  }
0x19: {  	s7 =	sld [smem:$0x3F9F]  }
0x1a: {  	s8 =	sadd.s32 $0xFFFFE003, lr  }
0x1b: {  	s9 =	sadd.s32 $0xFFFFFEF7, lr;
	s5 =	simm.s32 $0xFFFFFFFF;
	p2 =	slt.u32 s8, $0xFFFFF086  }
0x1c: {  	p1 =	slt.u32 s9, $0xF7A;
	s5 =	simm.s32 @!p2 $0x0  }
0x1d: {  	s5 =	simm.s32 @p1 $0x1;
	p0 =	seq.s32 s7, s2  }
0x1e: {  	s7 =	smul.u32 @!p0 $0xF7A, s2;
	p2 =	seq.s32 @!p0 s5, $0x0  }
0x1f: {  	s9 =	smul.u32 $0xF7A, s1;
	s8 =	simm.s32 @!p0 $0x1BF5;
	p2 =	por !p2, p0  }
0x20: {  	[sflag:s8] =	ssyncset.s32 @!p0 $0xFFFFF086;
	s6 =	sadd.s32 @!p0 s3, s7;
	s7 =	simm.s32 @!p0 $0x108  }
0x21: {  	s3 =	sadd.s32 s3, s9;
	s6 =	sadd.s32 @!p0 $0x88, s6;
	s7 =	simm.s32 @p2 $0x1082  }
0x22: {  	[simem:s7], [sflag:s8] =	dma.local @!p0 [hbm:s6], $0xF7A  }
0x23: {  	s9 =	sor.u32 $0xD0000000, s2;
	s6 =	simm.s32 $0x108;
	_ =	swait.ge @!p0 [sflag:s8], $0x0  }
0x24: {  	s3 =	sadd.s32 $0x88, s3;
	s6 =	simm.s32 @!p1 $0x1082;
	[sflag:s4] =	ssyncset.s32 $0xFFFFF086  }
0x25: {  	[simem:s6], [sflag:s4] =	dma.local [hbm:s3], $0xF7A  }
0x26: {  	[smem:$0x3F9F] =	sst s1;
	(tag) =	ssettag s2;
	_ =	strace s9  }
0x27: {  	s1 =	sld [smem:$0x3FAF]  }
0x28: {  	s2 =	sld [smem:$0x3FB0]  }
0x29: {  	s4 =	sld [smem:$0x3FB2]  }
0x2a: {  	p0 =	seq.s32 s5, $0x0;
	s5 =	sld [smem:$0x3FB3]  }
0x2b: {  	s6 =	sld [smem:$0x3FB4]  }
0x2c: {  	s7 =	sld [smem:$0x3FB5]  }
0x2d: {  	s3 =	simm.s32 $0x108;
	s8 =	sld [smem:$0x3FB6]  }
0x2e: {  	s3 =	simm.s32 @!p0 $0x1082;
	s9 =	sld [smem:$0x3FB7]  }
0x2f: {  	lr =	sadd.s32 s0, s3;
	s0 =	sld [smem:$0x3FAE]  }
0x30: {  	s3 =	sld [smem:$0x3FB1]  }
0x31: {  	[smem:$0x3FBA] =	sst s10  }
0x32: {  	s10 =	sld [smem:$0x3FB8];
	_ =	sdelay $0x3  }
0x33: {  	p0 =	seq.s32 s10, $0x1;
	s10 =	sld [smem:$0x3FBA];
	_ =	sdelay $0x3  }
0x34: {  	[smem:$0x3FBA] =	sst s10  }
0x35: {  	s10 =	sld [smem:$0x3FB9];
	_ =	sdelay $0x3  }
0x36: {  	p1 =	seq.s32 s10, $0x1;
	s10 =	sld [smem:$0x3FBA];
	_ =	sdelay $0x3  }
0x37: {  	[smem:$0x3FBA] =	sst s10  }
0x38: {  	s10 =	sld [smem:$0x3FBB]  }
0x39: {  	_ = 	snop;
	(pc) =	sbr.ind lr, $3  }
0x3a: {  	_ = 	snop  }
0x3b: {  	_ = 	snop  }
0x3c: {  	p2 =	seq.s32 s10, $0x1;
	s10 =	sld [smem:$0x3FBA]  }
0x3d: {  	_ =	shalt  }
0x3e: {  	_ =	shalt  }
0x3f: {  	_ =	shalt  }
0x40: {  	_ =	shalt  }
0x41: {  	_ =	shalt  }
0x42: {  	_ =	shalt  }
0x43: {  	_ =	shalt  }
0x44: {  	_ =	shalt  }
0x45: {  	_ =	shalt  }
0x46: {  	_ =	shalt  }
0x47: {  	_ =	shalt  }
0x48: {  	_ =	shalt  }
0x49: {  	_ =	shalt  }
0x4a: {  	_ =	shalt  }
0x4b: {  	_ =	shalt  }
0x4c: {  	_ =	shalt  }
0x4d: {  	_ =	shalt  }
0x4e: {  	_ =	shalt  }
0x4f: {  	_ =	shalt  }
0x50: {  	_ =	shalt  }
0x51: {  	_ =	shalt  }
0x52: {  	_ =	shalt  }
0x53: {  	_ =	shalt  }
0x54: {  	_ =	shalt  }
0x55: {  	_ =	shalt  }
0x56: {  	_ =	shalt  }
0x57: {  	_ =	shalt  }
0x58: {  	_ =	shalt  }
0x59: {  	_ =	shalt  }
0x5a: {  	_ =	shalt  }
0x5b: {  	_ =	shalt  }
0x5c: {  	_ =	shalt  }
0x5d: {  	_ =	shalt  }
0x5e: {  	_ =	shalt  }
0x5f: {  	_ =	shalt  }
0x60: {  	_ =	shalt  }
0x61: {  	_ =	shalt  }
0x62: {  	_ =	shalt  }
0x63: {  	_ =	shalt  }
0x64: {  	_ =	shalt  }
0x65: {  	_ =	shalt  }
0x66: {  	_ =	shalt  }
0x67: {  	_ =	shalt  }
0x68: {  	_ =	shalt  }
0x69: {  	_ =	shalt  }
0x6a: {  	_ =	shalt  }
0x6b: {  	_ =	shalt  }
0x6c: {  	_ =	shalt  }
0x6d: {  	_ =	shalt  }
0x6e: {  	_ =	shalt  }
0x6f: {  	_ =	shalt  }
0x70: {  	_ =	shalt  }
0x71: {  	_ =	shalt  }
0x72: {  	_ =	shalt  }
0x73: {  	_ =	shalt  }
0x74: {  	_ =	shalt  }
0x75: {  	_ =	shalt  }
0x76: {  	_ =	shalt  }
0x77: {  	_ =	shalt  }
0x78: {  	_ =	shalt  }
0x79: {  	_ =	shalt  }
0x7a: {  	_ =	shalt  }
0x7b: {  	_ =	shalt  }
0x7c: {  	_ =	shalt  }
0x7d: {  	_ =	shalt  }
0x7e: {  	_ =	shalt  }
0x7f: {  	_ =	shalt  }
0x80: {  	_ =	shalt  }
0x81: {  	_ =	shalt  }
0x82: {  	_ =	shalt  }
0x83: {  	_ =	shalt  }
0x84: {  	_ =	shalt  }
0x85: {  	_ =	shalt  }
0x86: {  	_ =	shalt  }
0x87: {  	_ =	shalt  }
.Lfunc_end0:
.L_simem_size_0:
called_computation_lowered:
.L_overlay_start_0:
0x88: {  	s2 =	sld [smem:$0x3FD9]  }
0x89: {  	s3 =	sld [smem:$0x3FFE];
	_ =	sdelay $0x1  }
0x8a: {  	s1 =	srdreg.scid  }
0x8b: {  	s0 =	sand.u32 $0x1, s1  }
0x8c: {  	s14 =	sshll.u32 s0, $0xA;
	s2 =	sadd.s32 s3, s2  }
0x8d: {  	s2 =	sadd.s32 s2, s14  }
0x8e: {  	[smem:$0x3FC6] =	sst s2  }
0x8f: {  	_ = 	snop  }
0x90: {  	s2 =	sld [smem:$0x3FD0];
	_ =	sdelay $0x2  }
0x91: {  	s15 =	simm.s32 $0xA;
	s4 =	simm.s32 $0x10  }
0x92: {  	[smem:s4], [sflag:s15] =	dma.local [hbm:s2], $0x1  }
0x93: {  	_ =	swait.eq [sflag:s15], $0x1  }
0x94: {  	[sflag:s15] =	ssyncset.done $0x0  }
0x95: {  	[sflag:s15] =	ssyncadd.s32 $0xFFFFFFFF  }
0x96: {  	s16 =	sld [smem:$0x10];
	(tm) =	ssettm $0x1  }
0x97: {  	s17 =	sld [smem:$0x3FFB];
	_ =	sdelay $0x3  }
0x98: {  	_ =	strace s17  }
0x99: {  	s3 =	sld [smem:$0x3FFC];
	_ =	sdelay $0x3  }
0x9a: {  	_ =	strace s3  }
0x9b: {  	s3 =	sld [smem:$0x3FFD];
	_ =	sdelay $0x3  }
0x9c: {  	_ =	strace s3  }
0x9d: {  	_ =	strace $0x8FFFFFFF  }
0x9e: {  	s18 =	sld [smem:$0x3FDB];
	_ =	sdelay $0x1  }
0x9f: {  	s19 =	simm.s32 $_scs_section_size  }
0xa0: {  	s5 =	simm.s32 $_size__tile_overlayer_lowered;
	s6 =	simm.s32 $_tile_overlayer_lowered  }
0xa1: {  	s22 =	simm.s32 $0x1BFF;
	s21 =	sshll.u32 s6, $0x1;
	s3 =	sadd.s32 s19, s18  }
0xa2: {  	s7 =	simm.s32 $0x0;
	s20 =	sshll.u32 s5, $0x1;
	s5 =	sadd.s32 s21, s3  }
0xa3: {  	[timem:s7], [sflag:s22] =	dma.local [hbm:s5], s20  }
0xa4: {  	_ =	swait.ge [sflag:s22], s20  }
0xa5: {  	s4 =	ssub.s32 $0x0, s20;
	[sflag:s22] =	ssyncset.done $0x0  }
0xa6: {  	[sflag:s22] =	ssyncadd.s32 s4;
	_ =	sdelay $0x1  }
0xa7: {  	s23 =	simm.s32 $0x1B8B  }
0xa8: {  	_ =	swait.ge [sflag:s23], $0x1  }
0xa9: {  	[sflag:s23] =	ssyncset.done $0x0  }
0xaa: {  	s25 =	simm.s32 $0x1B8E;
	s24 =	sld [smem:$0x3FFE];
	[sflag:s23] =	ssyncadd.s32 $0xFFFFFFFF  }
0xab: {  	s26 =	simm.s32 $execute0_lowered;
	[smem:$0x3FD2] =	sst s25  }
0xac: {  	s5 =	sshll.u32 s26, $0x1;
	_ =	strace $0x80000046;
	[dreg:$0x1] =	wrdreg $0xFFFFFFFF  }
0xad: {  	s28 =	simm.s32 $_size_execute0_lowered;
	s3 =	sadd.s32 s3, s5;
	[dreg:$0x0] =	wrdreg $0x0  }
0xae: {  	s5 =	sshll.u32 s28, $0x1;
	[dreg:$0x2] =	wrdreg s3  }
0xaf: {  	[dreg:$0x3] =	wrdreg s5  }
0xb0: {  	[dreg:$0x4] =	wrdreg $0xC0  }
0xb1: {  	_ =	task [dreg:s7], $0x5FFFF  }
0xb2: {  	[dreg:$0x1] =	wrdreg $0xFFFFFFFF  }
0xb3: {  	[dreg:$0x0] =	wrdreg $0x60  }
0xb4: {  	[dreg:$0x2] =	wrdreg s24  }
0xb5: {  	[dreg:$0x3] =	wrdreg s16  }
0xb6: {  	[dreg:$0x4] =	wrdreg $0x9  }
0xb7: {  	_ =	task.clear_ibuf [dreg:s7], $0x5FFFF;
	_ =	strace $0x90000046  }
0xb8: {  	s29 =	simm.s32 $0x9;
	_ =	strace $0x80000048  }
0xb9: {  	_ =	swait.ge [sflag:s29], $0x1  }
0xba: {  	[sflag:s29] =	ssyncadd.s32 $0xFFFFFFFF  }
0xbb: {  	_ =	strace $0x90000048  }
0xbc: {  	_ =	sfence  }
0xbd: {  	s30 =	sld [smem:$0x0];
	_ =	sdelay $0x2  }
0xbe: {  	s31 =	sshll.u32 s1, $0xD;
	s1 =	sshrl.u32 s1, $0x2  }
0xbf: {  	s3 =	sand.u32 $0x4000, s31;
	s1 =	sadd.s32 s1, s30  }
0xc0: {  	s0 =	sor.u32 s3, s0;
	s1 =	sshll.u32 s1, $0x11  }
0xc1: {  	s0 =	sor.u32 s1, s0  }
0xc2: {  	s0 =	sadd.s32 $0x8F2B, s0  }
0xc3: {  	[sflag:s0] =	ssyncadd.remote.s32 $0x1  }
0xc4: {  	_ =	sfence.sel $0xFFFF  }
0xc5: {  	[dreg:$0x0] =	wrdreg $0xFFFFFFFF;
	(pc) =	sbr.abs _section_cstart, $3  }
0xc6: {  	[dreg:$0x1] =	wrdreg $0xFFFFFFFF  }
0xc7: {  	_ =	task.clear_ibuf [dreg:s7], $0x2FFFF;
	_ =	strace $0x9FFFFFFF  }
0xc8: {  	(tm) =	ssettm $0x7FFFFFFF  }
0xc9: {  	_ =	shalt  }
tec
execute0_lowered:
.L_overlay_start_1:
0x0: {  	(tag) =	ssettag $0x1  }
0x1: {  	s0 =	rddreg [dreg:$0x0]  }
0x2: {  	s1 =	srdreg.scid;
	s5 =	stileid.u32  }
0x3: {  	s4 =	rddreg [dreg:$0x1];
	s15 =	simm.s32 $0x80;
	s16 =	simm.s32 $0x200  }
0x4: {  	s17 =	simm.s32 $0x1;
	s18 =	simm.s32 $0x1400;
	s19 =	simm.s32 $0x2800  }
0x5: {  	s20 =	simm.s32 $0x3C00;
	s21 =	simm.s32 $0x5000;
	s22 =	simm.s32 $0x400  }
0x6: {  	s30 =	simm.s32 $0x0;
	s1 =	sand.u32 $0x1, s1;
	s2 =	sshll.u32 s5, $0x1  }
0x7: {  	s5 =	sshrl.u32 s5, $0x2;
	s3 =	sor.u32 s1, s2;
	s2 =	simm.s32 $0x0  }
0x8: {  	s7 =	sshll.u32 s5, $0xB;
	s1 =	ssub.s32 $0x2, s1;
	s31 =	sshll.u32 s5, $0xA  }
0x9: {  	s6 =	sshll.u32 s3, $0x7;
	[smem:$0x7FF] =	sst s2;
	s3 =	smin.u32 s3, $0x3  }
0xa: {  	s24 =	sshrl.u32 s1, $0x1;
	s6 =	sand.u32 $0x380, s6;
	_ =	strace $0x80000047  }
0xb: {  	s3 =	sshll.u32 s3, $0x4;
	s25 =	ssub.s32 s1, s24;
	s24 =	simm.s32 $0x0  }
0xc: {  	s7 =	sor.u32 s7, s6;
	s3 =	sadd.s32 s0, s3;
	s1 =	sor.u32 s31, s6  }
0xd: {  	s14 =	smax.u32 s25, $0x1;
	s7 =	sshrl.u32 s7, $0x3;
	s26 =	sadd.s32 $0x1E00, s3  }
.Ltmp0:
0xe: {  	s28 =	sadd.s32 $0x1400, s3;
	[dreg:$0x3] =	wrdreg s26;
	(pc) =	sbr.rel .LBB2_1-.Ltmp0, $4  }
0xf: {  	s29 =	sadd.s32 $0xA00, s3;
	s1 =	sshrl.u32 s1, $0x3;
	[dreg:$0x4] =	wrdreg s28  }
0x10: {  	s12 =	sadd.s32 s7, s0;
	[dreg:$0x5] =	wrdreg s29;
	s7 =	sadd.s32 $0x2800, s3  }
0x11: {  	s13 =	sadd.s32 s4, s1;
	s8 =	sadd.s32 $0x4200, s12;
	s9 =	sadd.s32 $0x3200, s12  }
0x12: {  	v0 =	vimm.f32 $0.0e+00;
	v1 =	vimm.s32 $0x0;
	v2 =	vimm.f32 $2.000000000e+00;
	s10 =	sadd.s32 $0x3600, s12;
	s11 =	sadd.s32 $0x3A00, s12;
	s12 =	sadd.s32 $0x3E00, s12  }
.LBB2_17:
0x13: {  	v3 =	vmov s23  }
0x14: {  	s0 =	simm.s32 $0x6900;
	[tilespmem:$0x6E00] =	vst v3  }
0x15: {  	[hbm4b:s8+s15] =	stream.strided.scatter [tilespmem:s0], [sflag:$0x1], $0x100, s22, s15, $0x38;
	[tilespmem:$0x6E80] =	vst v63  }
0x16: {  	_ =	swait.ge [sflag:s17], $0x100  }
0x17: {  	[sflag:s17] =	ssyncset.done $0x0  }
0x18: {  	s25 =	simm.s32 $0x6A00;
	[sflag:s17] =	ssyncadd.s32 $0xFFFFFF00  }
0x19: {  	[hbm4b:s9+s15] =	stream.strided.scatter [tilespmem:s25], [sflag:$0x1], $0x100, s22, s15, $0x38;
	[tilespmem:$0x6E80] =	vst v63  }
0x1a: {  	_ =	swait.ge [sflag:s17], $0x100  }
0x1b: {  	[sflag:s17] =	ssyncset.done $0x0  }
0x1c: {  	s26 =	simm.s32 $0x6B00;
	[sflag:s17] =	ssyncadd.s32 $0xFFFFFF00  }
0x1d: {  	[hbm4b:s10+s15] =	stream.strided.scatter [tilespmem:s26], [sflag:$0x1], $0x100, s22, s15, $0x38;
	[tilespmem:$0x6E80] =	vst v63  }
0x1e: {  	_ =	swait.ge [sflag:s17], $0x100  }
0x1f: {  	[sflag:s17] =	ssyncset.done $0x0  }
0x20: {  	s28 =	simm.s32 $0x6C00;
	[sflag:s17] =	ssyncadd.s32 $0xFFFFFF00  }
0x21: {  	[hbm4b:s11+s15] =	stream.strided.scatter [tilespmem:s28], [sflag:$0x1], $0x100, s22, s15, $0x38;
	[tilespmem:$0x6E80] =	vst v63  }
0x22: {  	_ =	swait.ge [sflag:s17], $0x100  }
0x23: {  	[sflag:s17] =	ssyncset.done $0x0  }
0x24: {  	s29 =	simm.s32 $0x6D00;
	[sflag:s17] =	ssyncadd.s32 $0xFFFFFF00  }
0x25: {  	[hbm4b:s12+s15] =	stream.strided.scatter [tilespmem:s29], [sflag:$0x1], $0x100, s22, s15, $0x38;
	[tilespmem:$0x6E80] =	vst v63  }
0x26: {  	s30 =	sadd.s32 $0x1, s30;
	_ =	swait.ge [sflag:s17], $0x100  }
0x27: {  	p0 =	sne.s32 s30, s14;
	[sflag:s17] =	ssyncset.done $0x0  }
.Ltmp1:
0x28: {  	s31 =	simm.s32 $0x6E00;
	[sflag:s17] =	ssyncadd.s32 $0xFFFFFF00;
	(pc) =	sbr.rel @!p0 .LBB2_18-.Ltmp1, $4  }
0x29: {  	[hbm4b:s13+s2] =	stream.linear.scatter [tilespmem:s31], [sflag:$0x1], $0x80, $0x38;
	[tilespmem:$0x6E80] =	vst v63  }
0x2a: {  	_ =	swait.ge [sflag:s17], $0x80  }
0x2b: {  	[sflag:s17] =	ssyncset.done $0x0  }
0x2c: {  	[sflag:s17] =	ssyncadd.s32 $0xFFFFFF80  }
.LBB2_1:
0x2d: {  	s0 =	rddreg [dreg:$0x3]  }
0x2e: {  	[tilespmem:s2], [sflag:$0x1] =	stream.strided.gather [hbm4b:s0+s15], $0x1400, s16, s15, $0x38;
	[tilespmem:$0x6E80] =	vst v63  }
0x2f: {  	_ =	swait.ge [sflag:s17], $0x1400  }
0x30: {  	[sflag:s17] =	ssyncset.done $0x0  }
0x31: {  	s28 =	rddreg [dreg:$0x4];
	[sflag:s17] =	ssyncadd.s32 $0xFFFFEC00  }
0x32: {  	[tilespmem:s18], [sflag:$0x1] =	stream.strided.gather [hbm4b:s28+s15], $0x1400, s16, s15, $0x38;
	[tilespmem:$0x6E80] =	vst v63  }
0x33: {  	_ =	swait.ge [sflag:s17], $0x1400  }
0x34: {  	[sflag:s17] =	ssyncset.done $0x0  }
0x35: {  	s29 =	rddreg [dreg:$0x5];
	[sflag:s17] =	ssyncadd.s32 $0xFFFFEC00  }
0x36: {  	[tilespmem:s19], [sflag:$0x1] =	stream.strided.gather [hbm4b:s29+s15], $0x1400, s16, s15, $0x38;
	[tilespmem:$0x6E80] =	vst v63  }
0x37: {  	_ =	swait.ge [sflag:s17], $0x1400  }
0x38: {  	[sflag:s17] =	ssyncset.done $0x0  }
0x39: {  	[sflag:s17] =	ssyncadd.s32 $0xFFFFEC00  }
0x3a: {  	[tilespmem:s20], [sflag:$0x1] =	stream.strided.gather [hbm4b:s3+s15], $0x1400, s16, s15, $0x38;
	[tilespmem:$0x6E80] =	vst v63  }
0x3b: {  	_ =	swait.ge [sflag:s17], $0x1400  }
0x3c: {  	[sflag:s17] =	ssyncset.done $0x0  }
0x3d: {  	[sflag:s17] =	ssyncadd.s32 $0xFFFFEC00  }
0x3e: {  	[tilespmem:s21], [sflag:$0x1] =	stream.strided.gather [hbm4b:s7+s15], $0x1400, s16, s15, $0x38;
	[tilespmem:$0x6E80] =	vst v63  }
0x3f: {  	_ =	swait.ge [sflag:s17], $0x1400  }
0x40: {  	[sflag:s17] =	ssyncset.done $0x0  }
0x41: {  	[sflag:s17] =	ssyncadd.s32 $0xFFFFEC00  }
0x42: {  	[tilespmem:$0x6400] =	vst v0  }
0x43: {  	[tilespmem:$0x6500] =	vst v0  }
0x44: {  	[tilespmem:$0x6600] =	vst v0  }
0x45: {  	[tilespmem:$0x6700] =	vst v0  }
0x46: {  	[tilespmem:$0x6800] =	vst v0  }
0x47: {  	[tilespmem:$0x6900] =	vst v1  }
0x48: {  	[tilespmem:$0x6A00] =	vst v0  }
0x49: {  	[tilespmem:$0x6B00] =	vst v0  }
0x4a: {  	[tilespmem:$0x6C00] =	vst v0  }
0x4b: {  	[tilespmem:$0x6D00] =	vst v0  }
0x4c: {  	[tilespmem:$0x6410] =	vst v0  }
0x4d: {  	[tilespmem:$0x6510] =	vst v0  }
0x4e: {  	[tilespmem:$0x6610] =	vst v0  }
0x4f: {  	[tilespmem:$0x6710] =	vst v0  }
0x50: {  	[tilespmem:$0x6810] =	vst v0  }
0x51: {  	[tilespmem:$0x6910] =	vst v1  }
0x52: {  	[tilespmem:$0x6A10] =	vst v0  }
0x53: {  	[tilespmem:$0x6B10] =	vst v0  }
0x54: {  	[tilespmem:$0x6C10] =	vst v0  }
0x55: {  	[tilespmem:$0x6D10] =	vst v0  }
0x56: {  	[tilespmem:$0x6420] =	vst v0  }
0x57: {  	[tilespmem:$0x6520] =	vst v0  }
0x58: {  	[tilespmem:$0x6620] =	vst v0  }
0x59: {  	[tilespmem:$0x6720] =	vst v0  }
0x5a: {  	[tilespmem:$0x6820] =	vst v0  }
0x5b: {  	[tilespmem:$0x6920] =	vst v1  }
0x5c: {  	[tilespmem:$0x6A20] =	vst v0  }
0x5d: {  	[tilespmem:$0x6B20] =	vst v0  }
0x5e: {  	[tilespmem:$0x6C20] =	vst v0  }
0x5f: {  	[tilespmem:$0x6D20] =	vst v0  }
0x60: {  	[tilespmem:$0x6430] =	vst v0  }
0x61: {  	[tilespmem:$0x6530] =	vst v0  }
0x62: {  	[tilespmem:$0x6630] =	vst v0  }
0x63: {  	[tilespmem:$0x6730] =	vst v0  }
0x64: {  	[tilespmem:$0x6830] =	vst v0  }
0x65: {  	[tilespmem:$0x6930] =	vst v1  }
0x66: {  	[tilespmem:$0x6A30] =	vst v0  }
0x67: {  	[tilespmem:$0x6B30] =	vst v0  }
0x68: {  	[tilespmem:$0x6C30] =	vst v0  }
0x69: {  	[tilespmem:$0x6D30] =	vst v0  }
0x6a: {  	[tilespmem:$0x6440] =	vst v0  }
0x6b: {  	[tilespmem:$0x6540] =	vst v0  }
0x6c: {  	[tilespmem:$0x6640] =	vst v0  }
0x6d: {  	[tilespmem:$0x6740] =	vst v0  }
0x6e: {  	[tilespmem:$0x6840] =	vst v0  }
0x6f: {  	[tilespmem:$0x6940] =	vst v1  }
0x70: {  	[tilespmem:$0x6A40] =	vst v0  }
0x71: {  	[tilespmem:$0x6B40] =	vst v0  }
0x72: {  	[tilespmem:$0x6C40] =	vst v0  }
0x73: {  	[tilespmem:$0x6D40] =	vst v0  }
0x74: {  	[tilespmem:$0x6450] =	vst v0  }
0x75: {  	[tilespmem:$0x6550] =	vst v0  }
0x76: {  	[tilespmem:$0x6650] =	vst v0  }
0x77: {  	[tilespmem:$0x6750] =	vst v0  }
0x78: {  	[tilespmem:$0x6850] =	vst v0  }
0x79: {  	[tilespmem:$0x6950] =	vst v1  }
0x7a: {  	[tilespmem:$0x6A50] =	vst v0  }
0x7b: {  	[tilespmem:$0x6B50] =	vst v0  }
0x7c: {  	[tilespmem:$0x6C50] =	vst v0  }
0x7d: {  	[tilespmem:$0x6D50] =	vst v0  }
0x7e: {  	[tilespmem:$0x6460] =	vst v0  }
0x7f: {  	[tilespmem:$0x6560] =	vst v0  }
0x80: {  	[tilespmem:$0x6660] =	vst v0  }
0x81: {  	[tilespmem:$0x6760] =	vst v0  }
0x82: {  	[tilespmem:$0x6860] =	vst v0  }
0x83: {  	[tilespmem:$0x6960] =	vst v1  }
0x84: {  	[tilespmem:$0x6A60] =	vst v0  }
0x85: {  	[tilespmem:$0x6B60] =	vst v0  }
0x86: {  	[tilespmem:$0x6C60] =	vst v0  }
0x87: {  	[tilespmem:$0x6D60] =	vst v0  }
0x88: {  	[tilespmem:$0x6470] =	vst v0  }
0x89: {  	[tilespmem:$0x6570] =	vst v0  }
0x8a: {  	[tilespmem:$0x6670] =	vst v0  }
0x8b: {  	[tilespmem:$0x6770] =	vst v0  }
0x8c: {  	[tilespmem:$0x6870] =	vst v0  }
0x8d: {  	[tilespmem:$0x6970] =	vst v1  }
0x8e: {  	[tilespmem:$0x6A70] =	vst v0  }
0x8f: {  	[tilespmem:$0x6B70] =	vst v0  }
0x90: {  	[tilespmem:$0x6C70] =	vst v0  }
0x91: {  	[tilespmem:$0x6D70] =	vst v0  }
0x92: {  	[tilespmem:$0x6480] =	vst v0  }
0x93: {  	[tilespmem:$0x6580] =	vst v0  }
0x94: {  	[tilespmem:$0x6680] =	vst v0  }
0x95: {  	[tilespmem:$0x6780] =	vst v0  }
0x96: {  	[tilespmem:$0x6880] =	vst v0  }
0x97: {  	[tilespmem:$0x6980] =	vst v1  }
0x98: {  	[tilespmem:$0x6A80] =	vst v0  }
0x99: {  	[tilespmem:$0x6B80] =	vst v0  }
0x9a: {  	[tilespmem:$0x6C80] =	vst v0  }
0x9b: {  	[tilespmem:$0x6D80] =	vst v0  }
0x9c: {  	[tilespmem:$0x6490] =	vst v0  }
0x9d: {  	[tilespmem:$0x6590] =	vst v0  }
0x9e: {  	[tilespmem:$0x6690] =	vst v0  }
0x9f: {  	[tilespmem:$0x6790] =	vst v0  }
0xa0: {  	[tilespmem:$0x6890] =	vst v0  }
0xa1: {  	[tilespmem:$0x6990] =	vst v1  }
0xa2: {  	[tilespmem:$0x6A90] =	vst v0  }
0xa3: {  	[tilespmem:$0x6B90] =	vst v0  }
0xa4: {  	[tilespmem:$0x6C90] =	vst v0  }
0xa5: {  	[tilespmem:$0x6D90] =	vst v0  }
0xa6: {  	[tilespmem:$0x64A0] =	vst v0  }
0xa7: {  	[tilespmem:$0x65A0] =	vst v0  }
0xa8: {  	[tilespmem:$0x66A0] =	vst v0  }
0xa9: {  	[tilespmem:$0x67A0] =	vst v0  }
0xaa: {  	[tilespmem:$0x68A0] =	vst v0  }
0xab: {  	[tilespmem:$0x69A0] =	vst v1  }
0xac: {  	[tilespmem:$0x6AA0] =	vst v0  }
0xad: {  	[tilespmem:$0x6BA0] =	vst v0  }
0xae: {  	[tilespmem:$0x6CA0] =	vst v0  }
0xaf: {  	[tilespmem:$0x6DA0] =	vst v0  }
0xb0: {  	[tilespmem:$0x64B0] =	vst v0  }
0xb1: {  	[tilespmem:$0x65B0] =	vst v0  }
0xb2: {  	[tilespmem:$0x66B0] =	vst v0  }
0xb3: {  	[tilespmem:$0x67B0] =	vst v0  }
0xb4: {  	[tilespmem:$0x68B0] =	vst v0  }
0xb5: {  	[tilespmem:$0x69B0] =	vst v1  }
0xb6: {  	[tilespmem:$0x6AB0] =	vst v0  }
0xb7: {  	[tilespmem:$0x6BB0] =	vst v0  }
0xb8: {  	[tilespmem:$0x6CB0] =	vst v0  }
0xb9: {  	[tilespmem:$0x6DB0] =	vst v0  }
0xba: {  	[tilespmem:$0x64C0] =	vst v0  }
0xbb: {  	[tilespmem:$0x65C0] =	vst v0  }
0xbc: {  	[tilespmem:$0x66C0] =	vst v0  }
0xbd: {  	[tilespmem:$0x67C0] =	vst v0  }
0xbe: {  	[tilespmem:$0x68C0] =	vst v0  }
.Ltmp2:
0xbf: {  	[tilespmem:$0x69C0] =	vst v1;
	(pc) =	sbr.rel .LBB2_2-.Ltmp2, $4  }
0xc0: {  	[tilespmem:$0x6AC0] =	vst v0  }
0xc1: {  	[tilespmem:$0x6BC0] =	vst v0  }
0xc2: {  	[tilespmem:$0x6CC0] =	vst v0  }
0xc3: {  	s31 =	simm.s32 $0x20;
	s23 =	simm.s32 $0x0;
	s1 =	simm.s32 $0x0;
	[tilespmem:$0x6DC0] =	vst v0  }
.LBB2_16:
0xc4: {  	s1 =	sadd.s32 $0x1, s1  }
0xc5: {  	p0 =	sne.s32 s1, $0x50  }
.Ltmp3:
0xc6: {  	_ = 	snop;
	(pc) =	sbr.rel @!p0 .LBB2_17-.Ltmp3, $2  }
0xc7: {  	_ =	sdelay $0x2  }
0xc8: {  	s31 =	sadd.s32 $0x20, s31  }
.LBB2_2:
0xc9: {  	p0 =	sgt.s32 s23, $0xC7  }
.Ltmp4:
0xca: {  	_ = 	snop;
	(pc) =	sbr.rel @p0 .LBB2_16-.Ltmp4, $1  }
0xcb: {  	_ =	sdelay $0x3  }
0xcc: {  	s0 =	sshll.u32 s1, $0x6  }
0xcd: {  	v3 =	vmov s0  }
0xce: {  	v3 =	vbroadcast v3, $0x0;
	_ =	sdelay $0x1  }
0xcf: {  	s0 =	sor.u32 $0x1, s0  }
0xd0: {  	v4 =	vmov s0  }
0xd1: {  	v4 =	vbroadcast v4, $0x0;
	_ =	sdelay $0x1  }
0xd2: {  	v12 =	vld.idx.msk [tilespmem:v3+s21+$0x0], $0xffff;
	_ =	sdelay $0x3  }
0xd3: {  	v6 =	vld.idx.msk [tilespmem:v4+s21+$0x0], $0xffff;
	_ =	sdelay $0x3  }
0xd4: {  	v11 =	vld.idx.msk [tilespmem:v12+s2+$0x0], $0xffff  }
0xd5: {  	v10 =	vld.idx.msk [tilespmem:v12+s18+$0x0], $0xffff  }
0xd6: {  	v9 =	vld.idx.msk [tilespmem:v12+s19+$0x0], $0xffff  }
.Ltmp5:
0xd7: {  	v8 =	vld.idx.msk [tilespmem:v12+s20+$0x0], $0xffff;
	(pc) =	sbr.rel .LBB2_4-.Ltmp5, $4  }
0xd8: {  	v7 =	vld.idx.msk [tilespmem:v6+s2+$0x0], $0xffff  }
0xd9: {  	v5 =	vld.idx.msk [tilespmem:v6+s18+$0x0], $0xffff  }
0xda: {  	v4 =	vld.idx.msk [tilespmem:v6+s19+$0x0], $0xffff  }
0xdb: {  	s0 =	sshll.u32 s1, $0x5;
	v3 =	vld.idx.msk [tilespmem:v6+s20+$0x0], $0xffff  }
.LBB2_19:
0xdc: {  	v17 =	vpsel p0, v15, v15;
	v15 =	vpsel p0, v16, v16  }
.LBB2_15:
0xdd: {  	_ = 	snop  }
0xde: {  	v16 =	vmax.f32 v7, v11  }
0xdf: {  	v16 =	vmin.f32 v16, v9  }
0xe0: {  	v18 =	vmax.f32 v5, v10;
	v19 =	vmax.f32 v4, v11;
	v20 =	vmax.f32 v3, v10  }
0xe1: {  	v18 =	vmin.f32 v18, v8;
	v19 =	vmin.f32 v19, v9;
	v20 =	vmin.f32 v20, v8  }
0xe2: {  	v16 =	vsub.f32 v19, v16;
	v18 =	vsub.f32 v20, v18;
	_ =	sdelay $0x1  }
0xe3: {  	v54 =	vadd.f32 v13, v14;
	v16 =	vmul.f32 v18, v16;
	_ =	sdelay $0x1  }
0xe4: {  	v18 =	vsub.f32 v54, v16;
	_ =	sdelay $0x1  }
0xe5: {  	(erf) = vrcp.f32 v18;
	_ =	sdelay $0x4  }
0xe6: {  	(xrf0) =	vmax.scan.msk.f32 $0xffff, v17;
	_ =	sdelay $0x3  }
0xe7: {  	v55 =	vpop (erf)  }
0xe8: {  	v16 =	vmul.f32 v55, v16  }
0xe9: {  	v56, _, _ =	vpop (xrf0)  }
0xea: {  	(v2sf) =	vpush v56, $0xF;
	(xrf0) =	vmax.scan.msk.f32 $0xffff, v16  }
0xeb: {  	s4 =	sshll.u32 s0, $0x1;
	(xrf0) =	vmax.scan.msk.f32 $0xffff, v15  }
0xec: {  	p0 =	slt.s32 s4, $0x13FC  }
0xed: {  	s4 =	simm.s32 @!p0 $0x13FC  }
0xee: {  	s5 =	sadd.s32 $0x2, s4;
	s4 =	sadd.s32 $0x3, s4  }
0xef: {  	v58 =	vmov s4  }
0xf0: {  	v16, _, _ =	vpop (xrf0)  }
0xf1: {  	v15 =	vmov s5;
	(v2sf) =	vpush v16, $0xF;
	v57, _, _ =	vpop (xrf0)  }
0xf2: {  	v15 =	vbroadcast v15, $0x0;
	(v2sf) =	vpush v57, $0xF;
	_ =	sdelay $0x1  }
0xf3: {  	v59 =	vld.idx.msk [tilespmem:v58+s21+$0x0], $0xffff;
	_ =	sdelay $0x3  }
0xf4: {  	v15 =	vld.idx.msk [tilespmem:v15+s21+$0x0], $0xffff  }
0xf5: {  	s26 =	spop (v2sf)  }
0xf6: {  	p5 =	sle.f32 s26, $5.000000000e-01  }
0xf7: {  	p1 =	slt.s32 s23, $0xC8  }
0xf8: {  	v22 =	vld.idx.msk [tilespmem:v59+s24+$0x0], $0xffff;
	p1 =	por !p1, !p5  }
0xf9: {  	v23 =	vld.idx.msk [tilespmem:v59+s18+$0x0], $0xffff;
	p0 =	por !p1, !p1  }
0xfa: {  	v24 =	vld.idx.msk [tilespmem:v59+s19+$0x0], $0xffff;
	v21 =	vmov @p0 s23  }
0xfb: {  	v25 =	vld.idx.msk [tilespmem:v59+s20+$0x0], $0xffff  }
0xfc: {  	v60 =	vld.idx.msk [tilespmem:v15+s24+$0x0], $0xffff;
	s28 =	spop (v2sf)  }
0xfd: {  	v61 =	vld.idx.msk [tilespmem:v15+s18+$0x0], $0xffff;
	p2 =	sle.f32 s28, $5.000000000e-01;
	s29 =	spop (v2sf)  }
0xfe: {  	s5 =	simm.s32 $0x1;
	s4 =	simm.s32 @p0 $0x6400;
	v62 =	vld.idx.msk [tilespmem:v15+s19+$0x0], $0xffff;
	p3 =	sle.f32 s29, $5.000000000e-01  }
0xff: {  	s5 =	simm.s32 @!p0 $0x0;
	v63 =	vld.idx.msk [tilespmem:v15+s20+$0x0], $0xffff;
	[tilespmem:v21+s4+$0x0] =	vst.idx.msk @p0 $0x1, v11;
	s4 =	simm.s32 @p0 $0x6500;
	p1 =	por p2, p1  }
0x100: {  	s5 =	sadd.s32 s5, s23;
	[tilespmem:v21+s4+$0x0] =	vst.idx.msk @p0 $0x1, v10;
	s4 =	simm.s32 @p0 $0x6600;
	p1 =	por !p3, !p1  }
0x101: {  	p6 =	slt.s32 s5, $0xC8;
	[tilespmem:v21+s4+$0x0] =	vst.idx.msk @p0 $0x1, v9;
	s4 =	simm.s32 @p0 $0x6700;
	p1 =	por !p1, !p1  }
0x102: {  	[tilespmem:v21+s4+$0x0] =	vst.idx.msk @p0 $0x1, v8;
	s4 =	simm.s32 @p0 $0x6800;
	p1 =	por !p1, !p6  }
0x103: {  	[tilespmem:v21+s4+$0x0] =	vst.idx.msk @p0 $0x1, v14;
	s4 =	simm.s32 @p0 $0x6900;
	p1 =	por !p1, !p1  }
0x104: {  	[tilespmem:v21+s4+$0x0] =	vst.idx.msk @p0 $0x1, v12;
	s4 =	simm.s32 @p0 $0x6A00;
	v12 =	vmov @p1 s5  }
0x105: {  	[tilespmem:v21+s4+$0x0] =	vst.idx.msk @p0 $0x1, v11;
	s4 =	simm.s32 @p0 $0x6B00  }
0x106: {  	[tilespmem:v21+s4+$0x0] =	vst.idx.msk @p0 $0x1, v10;
	s4 =	simm.s32 @p0 $0x6C00  }
0x107: {  	[tilespmem:v21+s4+$0x0] =	vst.idx.msk @p0 $0x1, v9;
	s4 =	simm.s32 @p0 $0x6D00  }
0x108: {  	[tilespmem:v21+s4+$0x0] =	vst.idx.msk @p0 $0x1, v8;
	s4 =	simm.s32 @p1 $0x6400  }
0x109: {  	[tilespmem:v12+s4+$0x0] =	vst.idx.msk @p1 $0x1, v7;
	s4 =	simm.s32 @p1 $0x6500  }
0x10a: {  	[tilespmem:v12+s4+$0x0] =	vst.idx.msk @p1 $0x1, v5;
	s4 =	simm.s32 @p1 $0x6600  }
0x10b: {  	[tilespmem:v12+s4+$0x0] =	vst.idx.msk @p1 $0x1, v4;
	s4 =	simm.s32 @p1 $0x6700  }
0x10c: {  	s0 =	sadd.s32 $0x1, s0;
	[tilespmem:v12+s4+$0x0] =	vst.idx.msk @p1 $0x1, v3;
	s4 =	simm.s32 @p1 $0x6800  }
0x10d: {  	p0 =	sne.s32 s0, s31;
	[tilespmem:v12+s4+$0x0] =	vst.idx.msk @p1 $0x1, v13;
	s4 =	simm.s32 @p1 $0x6900  }
.Ltmp6:
0x10e: {  	[tilespmem:v12+s4+$0x0] =	vst.idx.msk @p1 $0x1, v6;
	s4 =	simm.s32 @p1 $0x6A00;
	(pc) =	sbr.rel @!p0 .LBB2_16-.Ltmp6, $4  }
0x10f: {  	[tilespmem:v12+s4+$0x0] =	vst.idx.msk @p1 $0x1, v7;
	s4 =	simm.s32 @p1 $0x6B00  }
0x110: {  	s6 =	simm.s32 $0x1;
	[tilespmem:v12+s4+$0x0] =	vst.idx.msk @p1 $0x1, v5;
	s4 =	simm.s32 @p1 $0x6C00  }
0x111: {  	v11 =	vmovc v60;
	v10 =	vmovc v61;
	v9 =	vmov v62;
	v8 =	vmov v63;
	s6 =	simm.s32 @!p1 $0x0;
	v6 =	vmov v59;
	[tilespmem:v12+s4+$0x0] =	vst.idx.msk @p1 $0x1, v4;
	s4 =	simm.s32 @p1 $0x6D00  }
0x112: {  	s23 =	sadd.s32 s6, s5;
	v7 =	vmovc v22;
	v5 =	vmovc v23;
	v4 =	vmov v24;
	[tilespmem:v12+s4+$0x0] =	vst.idx.msk @p1 $0x1, v3;
	v3 =	vmov v25;
	v12 =	vmov v15  }
.LBB2_4:
0x113: {  	s4 =	sadd.s32 $0xF, s23  }
0x114: {  	s5 =	sand.u32 $0xF, s4  }
0x115: {  	s6 =	sshra.s32 s4, $0x1F;
	p0 =	slt.s32 s4, $0x1;
	p1 =	sne.s32 s5, $0x0  }
0x116: {  	s29 =	sshrl.u32 s6, $0x1C;
	p0 =	por !p0, !p1  }
0x117: {  	s5 =	simm.s32 $0x1;
	s4 =	sadd.s32 s29, s4;
	p0 =	por !p0, !p0  }
0x118: {  	s4 =	sshra.s32 s4, $0x4;
	s5 =	simm.s32 @!p0 $0x0  }
0x119: {  	p0 =	sgt.s32 s23, $0xC7;
	s25 =	ssub.s32 s4, s5  }
0x11a: {  	v13 =	vsub.f32 v8, v10;
	v14 =	vsub.f32 v9, v11;
	p1 =	slt.s32 @!p0 s25, $0x1  }
0x11b: {  	v16 =	vsub.f32 v4, v7;
	v15 =	vsub.f32 v3, v5;
	p1 =	por p0, p1  }
.Ltmp7:
0x11c: {  	_ = 	snop;
	(pc) =	sbr.rel @p1 .LBB2_19-.Ltmp7, $3  }
0x11d: {  	v14 =	vmul.f32 v13, v14;
	v13 =	vmul.f32 v15, v16;
	_ =	sdelay $0x1  }
0x11e: {  	vm0 =	vge.f32 v14, $4.000000000e+00;
	vm1 =	vge.f32 v13, $4.000000000e+00  }
0x11f: {  	v15 =	vsel vm0, $0xBF800000, v2;
	v16 =	vsel vm1, $0xBF800000, v2  }
0x120: {  	s28 =	simm.s32 $0x6400  }
0x121: {  	s26 =	simm.s32 $0x6500;
	v17 =	vld [tilespmem:s28+$0x0]  }
0x122: {  	s6 =	simm.s32 $0x6600;
	v19 =	vld [tilespmem:s26+$0x0]  }
0x123: {  	s5 =	simm.s32 $0x6700;
	v20 =	vld [tilespmem:s6+$0x0]  }
0x124: {  	v18 =	vld [tilespmem:s5+$0x0];
	_ =	sdelay $0x1  }
0x125: {  	p3 =	sgt.s32 s25, $0x1;
	v21 =	vmax.f32 v11, v17;
	v22 =	vmax.f32 v9, v17  }
.Ltmp8:
0x126: {  	v23 =	vmax.f32 v10, v19;
	v24 =	vmax.f32 v7, v17;
	v25 =	vmax.f32 v5, v19;
	(pc) =	sbr.rel @!p3 .LBB2_6-.Ltmp8, $4  }
0x127: {  	v17 =	vmax.f32 v4, v17;
	v26 =	vmax.f32 v3, v19;
	v29 =	vmax.f32 v8, v19  }
0x128: {  	v24 =	vmin.f32 v24, v20;
	v25 =	vmin.f32 v25, v18;
	v17 =	vmin.f32 v17, v20  }
0x129: {  	s4 =	simm.s32 $0x6800;
	p0 =	por $0x0, $0x0;
	v26 =	vmin.f32 v26, v18;
	v27 =	vmin.f32 v21, v20;
	v32 =	vmin.f32 v23, v18  }
0x12a: {  	p1 =	por $0x0, $0x0;
	p2 =	por $0x0, $0x0;
	s5 =	simm.s32 $0x6410;
	v31 =	vmin.f32 v22, v20;
	v30 =	vsub.f32 v26, v25;
	v34 =	vsub.f32 v17, v24;
	v24 =	vld [tilespmem:s4+$0x0]  }
0x12b: {  	_ = 	snop  }
0x12c: {  	v20 =	vld [tilespmem:s5+$0x0];
	s4 =	simm.s32 $0x6510  }
0x12d: {  	v21 =	vld [tilespmem:s4+$0x0]  }
0x12e: {  	v17 =	vmin.f32 v29, v18;
	s26 =	simm.s32 $0x6610;
	v23 =	vsub.f32 v31, v27  }
0x12f: {  	v19 =	vmul.f32 v30, v34;
	v17 =	vsub.f32 v17, v32;
	v25 =	vld [tilespmem:s26+$0x0];
	v18 =	vadd.f32 v24, v13  }
0x130: {  	s28 =	simm.s32 $0x6710  }
0x131: {  	v17 =	vmul.f32 v17, v23;
	v22 =	vadd.f32 v24, v14;
	v26 =	vsub.f32 v18, v19;
	v18 =	vld [tilespmem:s28+$0x0]  }
0x132: {  	p3 =	sgt.s32 s25, $0x2;
	v23 =	vmax.f32 v11, v20;
	v24 =	vmax.f32 v7, v20;
	v28 =	vmax.f32 v10, v21  }
.Ltmp9:
0x133: {  	(erf) = vrcp.f32 v26;
	v26 =	vmax.f32 v9, v20;
	v20 =	vmax.f32 v4, v20;
	(pc) =	sbr.rel @!p3 .LBB2_8-.Ltmp9, $4  }
0x134: {  	v27 =	vmax.f32 v5, v21;
	v24 =	vmin.f32 v24, v25;
	v20 =	vmin.f32 v20, v25  }
0x135: {  	v29 =	vmax.f32 v3, v21;
	v31 =	vmin.f32 v26, v25;
	v34 =	vsub.f32 v20, v24  }
0x136: {  	s29 =	simm.s32 $0x6810;
	v27 =	vmin.f32 v27, v18;
	v30 =	vmin.f32 v29, v18;
	v29 =	vmax.f32 v8, v21  }
0x137: {  	p0 =	por $0x1, $0x1;
	s4 =	simm.s32 $0x6420;
	v24 =	vld [tilespmem:s29+$0x0];
	v32 =	vmin.f32 v28, v18;
	v30 =	vsub.f32 v30, v27;
	v27 =	vmin.f32 v23, v25  }
0x138: {  	v25 =	vld [tilespmem:s4+$0x0];
	v18 =	vmin.f32 v29, v18;
	s6 =	simm.s32 $0x6520  }
0x139: {  	v23 =	vsub.f32 v31, v27;
	s28 =	simm.s32 $0x6720;
	v26 =	vld [tilespmem:s6+$0x0];
	v21 =	vsub.f32 v18, v32  }
0x13a: {  	v18 =	vld [tilespmem:s28+$0x0]  }
0x13b: {  	v21 =	vmul.f32 v21, v23;
	v23 =	vsub.f32 v22, v17  }
0x13c: {  	s26 =	simm.s32 $0x6620;
	v28 =	vmul.f32 v30, v34;
	v20 =	vadd.f32 v24, v13;
	v27 =	vpop (erf);
	v36 =	vadd.f32 v24, v14  }
0x13d: {  	v31 =	vld [tilespmem:s26+$0x0];
	v19 =	vmul.f32 v27, v19;
	v22 =	vmax.f32 v11, v25;
	v33 =	vmax.f32 v9, v25  }
0x13e: {  	p3 =	sgt.s32 s25, $0x3;
	v20 =	vsub.f32 v20, v28;
	v24 =	vmax.f32 v5, v26;
	v27 =	vmax.f32 v3, v26  }
.Ltmp10:
0x13f: {  	v29 =	vmax.f32 v8, v26;
	v24 =	vmin.f32 v24, v18;
	v27 =	vmin.f32 v27, v18;
	(pc) =	sbr.rel @!p3 .LBB2_10-.Ltmp10, $4  }
0x140: {  	(erf) = vrcp.f32 v20;
	v20 =	vmax.f32 v16, v19;
	v16 =	vmax.f32 v10, v26  }
0x141: {  	v19 =	vmax.f32 v7, v25;
	v25 =	vmax.f32 v4, v25;
	v30 =	vsub.f32 v27, v24  }
0x142: {  	s29 =	simm.s32 $0x6820;
	v27 =	vmin.f32 v22, v31;
	v19 =	vmin.f32 v19, v31;
	v25 =	vmin.f32 v25, v31  }
0x143: {  	s4 =	simm.s32 $0x6430;
	p1 =	por $0x1, $0x1;
	v24 =	vld [tilespmem:s29+$0x0];
	v32 =	vmin.f32 v16, v18;
	v31 =	vmin.f32 v33, v31;
	v34 =	vsub.f32 v25, v19  }
0x144: {  	_ =	sdelay $0x1  }
0x145: {  	v33 =	vld [tilespmem:s4+$0x0];
	s26 =	simm.s32 $0x6530  }
0x146: {  	v16 =	vmin.f32 v29, v18;
	v29 =	vld [tilespmem:s26+$0x0]  }
0x147: {  	s28 =	simm.s32 $0x6630;
	v19 =	vmul.f32 v30, v34;
	v18 =	vadd.f32 v24, v13  }
0x148: {  	v25 =	vsub.f32 v31, v27;
	s29 =	simm.s32 $0x6730;
	v16 =	vsub.f32 v16, v32;
	v31 =	vld [tilespmem:s28+$0x0]  }
0x149: {  	(erf) = vrcp.f32 v23;
	v26 =	vpop (erf);
	v27 =	vsub.f32 v18, v19;
	v18 =	vld [tilespmem:s29+$0x0]  }
0x14a: {  	v25 =	vmul.f32 v16, v25;
	v22 =	vadd.f32 v24, v14;
	v24 =	vmul.f32 v26, v28  }
0x14b: {  	v28 =	vmax.f32 v9, v33;
	v30 =	vmax.f32 v5, v29;
	v63 =	vmax.f32 v3, v29  }
0x14c: {  	(erf) = vrcp.f32 v27;
	v16 =	vmax.f32 v20, v24;
	v24 =	vmax.f32 v7, v33  }
0x14d: {  	v27 =	vmax.f32 v11, v33;
	v33 =	vmax.f32 v4, v33;
	v24 =	vmin.f32 v24, v31  }
0x14e: {  	p3 =	sgt.s32 s25, $0x4;
	s4 =	simm.s32 $0x6830;
	v33 =	vmin.f32 v33, v31;
	v30 =	vmin.f32 v30, v18;
	v34 =	vmin.f32 v63, v18  }
.Ltmp11:
0x14f: {  	v30 =	vsub.f32 v34, v30;
	v34 =	vsub.f32 v33, v24;
	v24 =	vld [tilespmem:s4+$0x0];
	(pc) =	sbr.rel @!p3 .LBB2_12-.Ltmp11, $4  }
0x150: {  	_ = 	snop  }
0x151: {  	v26 =	vsub.f32 v36, v21;
	v62 =	vmax.f32 v10, v29  }
0x152: {  	v29 =	vmax.f32 v8, v29;
	v27 =	vmin.f32 v27, v31;
	v31 =	vmin.f32 v28, v31  }
0x153: {  	s5 =	simm.s32 $0x4;
	s6 =	simm.s32 $0x6440;
	p2 =	por $0x1, $0x1;
	v35 =	vpop (erf);
	v28 =	vmov v15;
	v32 =	vmin.f32 v62, v18;
	v33 =	vmov v17  }
.LBB2_13:
0x154: {  	v36 =	vld [tilespmem:s6+$0x0];
	v18 =	vmin.f32 v29, v18;
	v29 =	vmul.f32 v30, v34;
	v30 =	vadd.f32 v24, v13;
	s26 =	sadd.s32 $0x10, s26  }
0x155: {  	v27 =	vsub.f32 v31, v27;
	s28 =	sadd.s32 $0x10, s28;
	v34 =	vld [tilespmem:s26+$0x0];
	v32 =	vsub.f32 v18, v32;
	(erf) = vrcp.f32 v26  }
0x156: {  	s5 =	sadd.s32 $0x1, s5;
	v24 =	vadd.f32 v24, v14;
	s29 =	sadd.s32 $0x10, s29;
	v35 =	vmul.f32 v35, v33;
	v31 =	vld [tilespmem:s28+$0x0];
	v30 =	vsub.f32 v30, v29;
	v37 =	vpop (erf)  }
0x157: {  	p3 =	sgt.s32 s25, s5;
	v26 =	vsub.f32 v22, v25;
	v18 =	vld [tilespmem:s29+$0x0];
	v27 =	vmul.f32 v32, v27;
	v32 =	vmul.f32 v37, v19;
	v19 =	vmovc v29  }
0x158: {  	v33 =	vmovc v21;
	v21 =	vmovc v25;
	v28 =	vmax.f32 v28, v35;
	v22 =	vmov v24;
	(erf) = vrcp.f32 v30  }
0x159: {  	s4 =	sadd.s32 $0x10, s4;
	v35 =	vmax.f32 v11, v36;
	v37 =	vmax.f32 v9, v36;
	v16 =	vmax.f32 v16, v32;
	v25 =	vmovc v27  }
.Ltmp12:
0x15a: {  	v27 =	vmax.f32 v7, v36;
	v24 =	vld [tilespmem:s4+$0x0];
	v32 =	vmax.f32 v10, v34;
	v29 =	vmax.f32 v5, v34;
	(pc) =	sbr.rel @p3 .LBB2_13-.Ltmp12, $4  }
0x15b: {  	v30 =	vmax.f32 v4, v36;
	v36 =	vmax.f32 v3, v34;
	v27 =	vmin.f32 v27, v31  }
0x15c: {  	v39 =	vmin.f32 v30, v31;
	v38 =	vmin.f32 v29, v18;
	v30 =	vmin.f32 v36, v18  }
0x15d: {  	v29 =	vmax.f32 v8, v34;
	v34 =	vsub.f32 v39, v27;
	v30 =	vsub.f32 v30, v38  }
0x15e: {  	s6 =	sadd.s32 $0x10, s6;
	v27 =	vmin.f32 v35, v31;
	v32 =	vmin.f32 v32, v18;
	v31 =	vmin.f32 v37, v31;
	v35 =	vpop (erf)  }
.LBB2_14:
0x15f: {  	v18 =	vmin.f32 v29, v18;
	v56 =	vmul.f32 v30, v34;
	v57 =	vadd.f32 v24, v13  }
0x160: {  	v27 =	vsub.f32 v31, v27;
	(erf) = vrcp.f32 @p1 v26;
	v22 =	vsub.f32 @p0 v22, v25  }
0x161: {  	v18 =	vsub.f32 v18, v32;
	v58 =	vsub.f32 v57, v56  }
0x162: {  	v59 =	vadd.f32 v24, v14  }
0x163: {  	v22 =	vpsel p0, v22, v23;
	v18 =	vmul.f32 v18, v27;
	(erf) = vrcp.f32 v58  }
0x164: {  	(erf) = vrcp.f32 @p0 v22  }
0x165: {  	v60 =	vsub.f32 v59, v18;
	_ =	sdelay $0x1  }
0x166: {  	(erf) = vrcp.f32 v60  }
0x167: {  	v22 =	vpop @p0 (erf)  }
0x168: {  	v23 =	vpop @p1 (erf)  }
0x169: {  	v23 =	vpsel p1, v23, v0  }
0x16a: {  	v24 =	vmul.f32 @p2 v35, v33  }
0x16b: {  	v21 =	vpsel p1, v21, v0;
	v19 =	vmul.f32 @p0 v22, v19;
	v22 =	vmov @p0 v25;
	v61 =	vpop (erf)  }
0x16c: {  	v17 =	vpsel p0, v22, v17;
	v22 =	vmax.f32 @p2 v28, v24;
	v21 =	vmul.f32 @p1 v23, v21;
	v23 =	vpop @p0 (erf)  }
0x16d: {  	v22 =	vpsel p2, v22, v15;
	v17 =	vpsel p0, v17, v0;
	v23 =	vpsel p0, v23, v0  }
.Ltmp13:
0x16e: {  	v21 =	vmax.f32 @p1 v22, v21;
	v17 =	vmul.f32 @p0 v23, v17;
	(pc) =	sbr.rel .LBB2_15-.Ltmp13, $4  }
0x16f: {  	v16 =	vmax.f32 @p0 v16, v19;
	v19 =	vpsel p1, v21, v15;
	v62 =	vpop (erf)  }
0x170: {  	v63 =	vmul.f32 v61, v56;
	v18 =	vmul.f32 v62, v18;
	v17 =	vmax.f32 @p0 v19, v17  }
0x171: {  	v16 =	vpsel p0, v16, v20;
	v17 =	vpsel p0, v17, v15  }
0x172: {  	v15 =	vmax.f32 v16, v63;
	v17 =	vmax.f32 v17, v18  }
.LBB2_6:
.Ltmp14:
0x173: {  	(pc) =	sbr.rel .LBB2_14-.Ltmp14, $2  }
0x174: {  	_ =	sdelay $0x2  }
0x175: {  	v28 =	vmov v15;
	v20 =	vmov v16  }
.LBB2_8:
.Ltmp15:
0x176: {  	(pc) =	sbr.rel .LBB2_14-.Ltmp15, $2  }
0x177: {  	_ =	sdelay $0x2  }
0x178: {  	v25 =	vmov v17;
	v28 =	vmov v15;
	v20 =	vmov v16  }
.LBB2_10:
.Ltmp16:
0x179: {  	(pc) =	sbr.rel .LBB2_14-.Ltmp16, $3  }
0x17a: {  	_ =	sdelay $0x1  }
0x17b: {  	v25 =	vmov v21;
	v26 =	vmov v23  }
0x17c: {  	v22 =	vmovc v36;
	v19 =	vmovc v28;
	v28 =	vmov v15;
	v21 =	vmov v17;
	v16 =	vmov v20  }
.LBB2_12:
.Ltmp17:
0x17d: {  	(pc) =	sbr.rel .LBB2_14-.Ltmp17, $2  }
0x17e: {  	_ =	sdelay $0x2  }
0x17f: {  	v33 =	vmov v17;
	v28 =	vmov v15  }
.LBB2_18:
0x180: {  	_ =	sfence.sel $0x180000  }
0x181: {  	[bflag:$0x0] =	sbarrier.arrive $0xFFFF  }
0x182: {  	_ =	strace $0x90000047  }
0x183: {  	s0 =	stileid.u32;
	[bflag:$0x2] =	sbarrier.arrive $0xFFFF  }
0x184: {  	p0 =	sne.s32 s0, $0x0;
	s0 =	rddreg [dreg:$0x2]  }
0x185: {  	s0 =	sadd.s32 @!p0 $0x100000, s0  }
0x186: {  	[sflag:s0] =	ssyncadd.tile.s32 @!p0 $0x1;
	_ =	shalt  }
.Lfunc_end2:
_tile_overlayer_lowered:
.L_overlay_start_2:
0x187: {  	(tag) =	ssettag $0x2  }
0x188: {  	s0 =	rddreg [dreg:$0x0];
	s2 =	stileid.u32  }
0x189: {  	s1 =	rddreg [dreg:$0x1];
	p0 =	sne.s32 s2, $0x0  }
0x18a: {  	s3 =	rddreg [dreg:$0x2];
	[bflag:$0x3] =	sbarrier.arrive $0xFFFF;
	s2 =	simm.s32 @!p0 $0x1C01  }
0x18b: {  	[timem:s3], [sflag:s2] =	dma.local @!p0 [hbm:s0], s1  }
0x18c: {  	s0 =	simm.s32 @!p0 $0x1  }
0x18d: {  	_ =	swait.ge @!p0 [sflag:s0], s1  }
0x18e: {  	s1 =	ssub.s32 @!p0 $0x0, s1;
	[sflag:s0] =	ssyncset.done @!p0 $0x0  }
0x18f: {  	[sflag:s0] =	ssyncadd.s32 @!p0 s1  }
0x190: {  	[bflag:$0x3] =	sbarrier.arrive $0xFFFF  }
0x191: {  	_ =	shalt  }

</sc_bundles>
